<compile_context>
chip_gen: v7x
topology: tpu7x:2x2x1
jax: 0.10.2.dev20260603
libtpu: 0.0.44.dev20260713+nightly
codegen_flags: <defaults>
</compile_context>

<pallas_src>
import jax
import jax.numpy as jnp
from jax import lax
from jax.experimental import pallas as pl
from jax.experimental.pallas import tpu as pltpu
from jax.experimental.pallas import tpu_sc as plsc

_B, _L, _D = 4096, 200, 64
_N = _B * _L
_NC, _NS = 2, 16
_NW = _NC * _NS
_C = 128
_CHUNKS = _N // (_NW * _C)
_NBUF = 4


def _sc_body(idx_hbm, emb_hbm, tab_hbm, out_hbm, *s):
    idx_v = s[0:4]
    comb = s[4:8]
    isem = s[8:12]
    gsem = s[12:16]
    esem = s[16:20]
    psem = s[20:24]
    tab_sh = s[24]
    sid = lax.axis_index("s")
    wid = sid * _NC + lax.axis_index("c")
    wbase = wid * _CHUNKS

    @pl.when(sid == 0)
    def _():
        pltpu.sync_copy(tab_hbm, tab_sh)
    plsc.subcore_barrier()

    def issue_idx(c, r):
        pltpu.async_copy(idx_hbm.at[pl.ds(wbase + c, 1)], idx_v[r], isem[r])

    def gather(r):
        pltpu.make_async_copy(
            idx_hbm.at[pl.ds(0, 1)], idx_v[r], isem[r]).wait()
        pltpu.async_copy(tab_sh.at[idx_v[r].at[0]], comb[r], gsem[r])

    def embed_fill(c, r):
        base = (wbase + c) * _C
        pltpu.make_async_copy(tab_hbm.at[pl.ds(0, _C)], comb[r], gsem[r]).wait()
        pltpu.async_copy(emb_hbm.at[pl.ds(base, _C)],
                         comb[r].at[pl.ds(0, _C), pl.ds(0, _D)], esem[r])

    def write_out(c, r):
        base = (wbase + c) * _C
        pltpu.make_async_copy(
            emb_hbm.at[pl.ds(0, _C)],
            comb[r].at[pl.ds(0, _C), pl.ds(0, _D)], esem[r]).wait()
        pltpu.async_copy(comb[r], out_hbm.at[pl.ds(base, _C)], psem[r])

    def wait_write(r):
        pltpu.make_async_copy(comb[r], out_hbm.at[pl.ds(0, _C)], psem[r]).wait()

    def step(c, r, first=3, prefetch=True):
        gather(r)
        if first >= 1:
            embed_fill(c - 1, (r - 1) % _NBUF)
        if first >= 2:
            write_out(c - 2, (r - 2) % _NBUF)
        if first >= 3:
            wait_write((r + 1) % _NBUF)
        if prefetch:
            issue_idx(c + 2, (r + 2) % _NBUF)

    issue_idx(0, 0)
    issue_idx(1, 1)
    step(0, 0, first=0)
    step(1, 1, first=1)
    step(2, 2, first=2)
    step(3, 3)

    def loop(k, carry):
        c = 4 * k
        step(c, 0)
        step(c + 1, 1)
        step(c + 2, 2)
        step(c + 3, 3)
        return carry

    lax.fori_loop(1, _CHUNKS // 4 - 1, loop, 0)
    step(_CHUNKS - 4, 0)
    step(_CHUNKS - 3, 1)
    step(_CHUNKS - 2, 2, prefetch=False)
    step(_CHUNKS - 1, 3, prefetch=False)

    embed_fill(_CHUNKS - 1, 3)
    write_out(_CHUNKS - 2, 2)
    write_out(_CHUNKS - 1, 3)
    wait_write(1)
    wait_write(2)
    wait_write(3)


def kernel(input, embedded, pos_emb):
    idx = input.reshape(_N // 128, 128).astype(jnp.int32)
    emb = embedded.reshape(_N, _D)
    tab = jnp.pad(pos_emb, ((0, 0), (_D, 0)))
    mesh = plsc.VectorSubcoreMesh(core_axis_name="c", subcore_axis_name="s")
    out = pl.kernel(
        _sc_body,
        out_type=jax.ShapeDtypeStruct((_N, 2 * _D), jnp.float32),
        mesh=mesh,
        scratch_types=(
            [pltpu.VMEM((1, 128), jnp.int32) for _ in range(_NBUF)]
            + [pltpu.VMEM((_C, 2 * _D), jnp.float32) for _ in range(_NBUF)]
            + [pltpu.SemaphoreType.DMA for _ in range(4 * _NBUF)]
            + [pltpu.VMEM_SHARED((4096, 2 * _D), jnp.float32)]
        ),
        compiler_params=pltpu.CompilerParams(use_tc_tiling_on_sc=False),
    )(idx, emb, tab)
    return out.reshape(_B, _L, 2 * _D)

# --- scband reference (transcript-rebuilt; emitter-appended) ---
"""Pipeline reference for scband-positional-encoding-49057116455147 (READ-ONLY COPY).

The authoritative reference and input builder live on the scoring server;
editing this copy changes nothing except your own understanding.
"""

import jax, jax.numpy as jnp
import numpy as np


def setup_inputs(seed: int = 0) -> dict:
    key = jax.random.key(seed)
    k1, k2, k3 = jax.random.split(key, 3)
    inp = jax.random.randint(k1, (4096, 200), 0, 4096, dtype=jnp.int64)
    embedded = jax.random.normal(k2, (4096, 200, 64), dtype=jnp.float32)
    # learned positional embedding table: nn.Embedding(max_len=4096, dim=64)
    pos_emb = jax.random.normal(k3, (4096, 64), dtype=jnp.float32) * 0.02
    return {"input": inp, "embedded": embedded, "pos_emb": pos_emb}


def reference(input, embedded, pos_emb):
    # torch: torch.cat([embedded, self.pos_emb(input)], -1)
    pe = jnp.take(pos_emb, input, axis=0)  # [B, L, dim]
    return jnp.concatenate([embedded, pe], axis=-1)

if __name__ == "__main__":
    import jax
    _d = setup_inputs()
    print(jax.jit(kernel)(*tuple(_d.values())))

</pallas_src>

<mosaic_0001>
#map = affine_map<(d0, d1) -> (0, 0)>
module attributes {stable_mosaic.version = 14 : i64} {
  func.func @_sc_body(%arg0: i32, %arg1: i32, %arg2: memref<6400x128xi32, #tpu.memory_space<hbm>>, %arg3: memref<819200x64xf32, #tpu.memory_space<hbm>>, %arg4: memref<4096x128xf32, #tpu.memory_space<hbm>>, %arg5: memref<819200x128xf32, #tpu.memory_space<hbm>>, %arg6: memref<1x128xi32, #tpu.memory_space<vmem>>, %arg7: memref<1x128xi32, #tpu.memory_space<vmem>>, %arg8: memref<1x128xi32, #tpu.memory_space<vmem>>, %arg9: memref<1x128xi32, #tpu.memory_space<vmem>>, %arg10: memref<128x128xf32, #tpu.memory_space<vmem>>, %arg11: memref<128x128xf32, #tpu.memory_space<vmem>>, %arg12: memref<128x128xf32, #tpu.memory_space<vmem>>, %arg13: memref<128x128xf32, #tpu.memory_space<vmem>>, %arg14: memref<!tpu.dma_semaphore, #tpu.memory_space<semaphore_mem>>, %arg15: memref<!tpu.dma_semaphore, #tpu.memory_space<semaphore_mem>>, %arg16: memref<!tpu.dma_semaphore, #tpu.memory_space<semaphore_mem>>, %arg17: memref<!tpu.dma_semaphore, #tpu.memory_space<semaphore_mem>>, %arg18: memref<!tpu.dma_semaphore, #tpu.memory_space<semaphore_mem>>, %arg19: memref<!tpu.dma_semaphore, #tpu.memory_space<semaphore_mem>>, %arg20: memref<!tpu.dma_semaphore, #tpu.memory_space<semaphore_mem>>, %arg21: memref<!tpu.dma_semaphore, #tpu.memory_space<semaphore_mem>>, %arg22: memref<!tpu.dma_semaphore, #tpu.memory_space<semaphore_mem>>, %arg23: memref<!tpu.dma_semaphore, #tpu.memory_space<semaphore_mem>>, %arg24: memref<!tpu.dma_semaphore, #tpu.memory_space<semaphore_mem>>, %arg25: memref<!tpu.dma_semaphore, #tpu.memory_space<semaphore_mem>>, %arg26: memref<!tpu.dma_semaphore, #tpu.memory_space<semaphore_mem>>, %arg27: memref<!tpu.dma_semaphore, #tpu.memory_space<semaphore_mem>>, %arg28: memref<!tpu.dma_semaphore, #tpu.memory_space<semaphore_mem>>, %arg29: memref<!tpu.dma_semaphore, #tpu.memory_space<semaphore_mem>>, %arg30: memref<4096x128xf32, #tpu.memory_space<vmem_shared>>) attributes {dimension_semantics = [#tpu.dimension_semantics<core_parallel>, #tpu.dimension_semantics<subcore_parallel>], iteration_bounds = array<i64: 2, 16>, scalar_prefetch = 0 : i64, scratch_operands = 25 : i64, tpu.core_type = #tpu.core_type<sc_vector_subcore>, window_params = [{transform_indices = #map}, {transform_indices = #map}, {transform_indices = #map}, {transform_indices = #map}]} {
    %mul3A = arith.constant 2 : i32
    %mul3A_0 = arith.muli %arg1, %mul3A : i32
    %add3A = arith.addi %mul3A_0, %arg0 : i32
    %mul3A_1 = arith.constant 200 : i32
    %mul3A_2 = arith.muli %add3A, %mul3A_1 : i32
    %eq3A = arith.constant 0 : i32
    %eq3A_3 = arith.cmpi eq, %arg1, %eq3A : i32
    %convert_element_type3A = arith.extui %eq3A_3 : i1 to i32
    %cond3A = arith.constant 0 : i32
    %cond3A_4 = arith.cmpi ne, %convert_element_type3A, %cond3A : i32
    scf.if %cond3A_4 {
      "tpu.region"() ({
        %run_scoped3A = tpu.sem_alloc : memref<!tpu.dma_semaphore, #tpu.memory_space<semaphore_mem>>
        tpu.enqueue_dma source(%arg4 : memref<4096x128xf32, #tpu.memory_space<hbm>>) target(%arg30 : memref<4096x128xf32, #tpu.memory_space<vmem_shared>>) target_semaphore(%run_scoped3A : memref<!tpu.dma_semaphore, #tpu.memory_space<semaphore_mem>>)
        tpu.wait_dma2 semaphore(%run_scoped3A : memref<!tpu.dma_semaphore, #tpu.memory_space<semaphore_mem>>) src(%arg4 : memref<4096x128xf32, #tpu.memory_space<hbm>>) dst(%arg30 : memref<4096x128xf32, #tpu.memory_space<vmem_shared>>)
        tpu.yield
      }) : () -> ()
    } else {
    }
    %barrier3A = arith.constant 0 : index
    tpu.barrier barrier_id(%barrier3A)
    %add3A_5 = arith.constant 0 : i32
    %add3A_6 = arith.addi %mul3A_2, %add3A_5 : i32
    %dma_start3A = arith.constant 0 : i32
    %dma_start3A_7 = tpu.memref_slice %arg2[%add3A_6, %dma_start3A] : memref<6400x128xi32, #tpu.memory_space<hbm>> -> memref<1x128xi32, #tpu.memory_space<hbm>>
    %dma_start3A_8 = arith.constant 0 : i32
    %dma_start3A_9 = tpu.memref_slice %arg2[%add3A_6, %dma_start3A_8] : memref<6400x128xi32, #tpu.memory_space<hbm>> -> memref<1x128xi32, #tpu.memory_space<hbm>>
    tpu.enqueue_dma source(%dma_start3A_9 : memref<1x128xi32, #tpu.memory_space<hbm>>) target(%arg6 : memref<1x128xi32, #tpu.memory_space<vmem>>) target_semaphore(%arg14 : memref<!tpu.dma_semaphore, #tpu.memory_space<semaphore_mem>>)
    %add3A_10 = arith.constant 1 : i32
    %add3A_11 = arith.addi %mul3A_2, %add3A_10 : i32
    %dma_start3A_12 = arith.constant 0 : i32
    %dma_start3A_13 = tpu.memref_slice %arg2[%add3A_11, %dma_start3A_12] : memref<6400x128xi32, #tpu.memory_space<hbm>> -> memref<1x128xi32, #tpu.memory_space<hbm>>
    %dma_start3A_14 = arith.constant 0 : i32
    %dma_start3A_15 = tpu.memref_slice %arg2[%add3A_11, %dma_start3A_14] : memref<6400x128xi32, #tpu.memory_space<hbm>> -> memref<1x128xi32, #tpu.memory_space<hbm>>
    tpu.enqueue_dma source(%dma_start3A_15 : memref<1x128xi32, #tpu.memory_space<hbm>>) target(%arg7 : memref<1x128xi32, #tpu.memory_space<vmem>>) target_semaphore(%arg15 : memref<!tpu.dma_semaphore, #tpu.memory_space<semaphore_mem>>)
    %dma_wait3A = arith.constant 0 : i32
    %dma_wait3A_16 = arith.constant 0 : i32
    %dma_wait3A_17 = tpu.memref_slice %arg2[%dma_wait3A, %dma_wait3A_16] : memref<6400x128xi32, #tpu.memory_space<hbm>> -> memref<1x128xi32, #tpu.memory_space<hbm>>
    %dma_wait3A_18 = arith.constant 0 : i32
    %dma_wait3A_19 = arith.constant 0 : i32
    %dma_wait3A_20 = tpu.memref_slice %arg2[%dma_wait3A_18, %dma_wait3A_19] : memref<6400x128xi32, #tpu.memory_space<hbm>> -> memref<1x128xi32, #tpu.memory_space<hbm>>
    tpu.wait_dma2 semaphore(%arg14 : memref<!tpu.dma_semaphore, #tpu.memory_space<semaphore_mem>>) src(%dma_wait3A_20 : memref<1x128xi32, #tpu.memory_space<hbm>>) dst(%arg6 : memref<1x128xi32, #tpu.memory_space<vmem>>)
    %dma_start3A_21 = arith.constant 0 : i32
    %dma_start3A_22 = arith.constant 0 : i32
    %dma_start3A_23 = tpu.memref_slice %arg6[%dma_start3A_21, %dma_start3A_22] : memref<1x128xi32, #tpu.memory_space<vmem>> -> memref<1x128xi32, #tpu.memory_space<vmem>>
    %dma_start3A_24 = tpu.memref_squeeze %dma_start3A_23 : memref<1x128xi32, #tpu.memory_space<vmem>> -> memref<128xi32, #tpu.memory_space<vmem>>
    %dma_start3A_25 = arith.constant 0 : i32
    %dma_start3A_26 = arith.constant 0 : i32
    %dma_start3A_27 = tpu.memref_slice %arg30[%dma_start3A_25, %dma_start3A_26] : memref<4096x128xf32, #tpu.memory_space<vmem_shared>> -> memref<4096x128xf32, #tpu.memory_space<vmem_shared>>
    tpu.enqueue_indirect_dma source(%dma_start3A_27 : memref<4096x128xf32, #tpu.memory_space<vmem_shared>>) target(%arg10 : memref<128x128xf32, #tpu.memory_space<vmem>>) offsets(%dma_start3A_24 : memref<128xi32, #tpu.memory_space<vmem>>) semaphore(%arg18 : memref<!tpu.dma_semaphore, #tpu.memory_space<semaphore_mem>>)
    %add3A_28 = arith.constant 2 : i32
    %add3A_29 = arith.addi %mul3A_2, %add3A_28 : i32
    %dma_start3A_30 = arith.constant 0 : i32
    %dma_start3A_31 = tpu.memref_slice %arg2[%add3A_29, %dma_start3A_30] : memref<6400x128xi32, #tpu.memory_space<hbm>> -> memref<1x128xi32, #tpu.memory_space<hbm>>
    %dma_start3A_32 = arith.constant 0 : i32
    %dma_start3A_33 = tpu.memref_slice %arg2[%add3A_29, %dma_start3A_32] : memref<6400x128xi32, #tpu.memory_space<hbm>> -> memref<1x128xi32, #tpu.memory_space<hbm>>
    tpu.enqueue_dma source(%dma_start3A_33 : memref<1x128xi32, #tpu.memory_space<hbm>>) target(%arg8 : memref<1x128xi32, #tpu.memory_space<vmem>>) target_semaphore(%arg16 : memref<!tpu.dma_semaphore, #tpu.memory_space<semaphore_mem>>)
    %dma_wait3A_34 = arith.constant 0 : i32
    %dma_wait3A_35 = arith.constant 0 : i32
    %dma_wait3A_36 = tpu.memref_slice %arg2[%dma_wait3A_34, %dma_wait3A_35] : memref<6400x128xi32, #tpu.memory_space<hbm>> -> memref<1x128xi32, #tpu.memory_space<hbm>>
    %dma_wait3A_37 = arith.constant 0 : i32
    %dma_wait3A_38 = arith.constant 0 : i32
    %dma_wait3A_39 = tpu.memref_slice %arg2[%dma_wait3A_37, %dma_wait3A_38] : memref<6400x128xi32, #tpu.memory_space<hbm>> -> memref<1x128xi32, #tpu.memory_space<hbm>>
    tpu.wait_dma2 semaphore(%arg15 : memref<!tpu.dma_semaphore, #tpu.memory_space<semaphore_mem>>) src(%dma_wait3A_39 : memref<1x128xi32, #tpu.memory_space<hbm>>) dst(%arg7 : memref<1x128xi32, #tpu.memory_space<vmem>>)
    %dma_start3A_40 = arith.constant 0 : i32
    %dma_start3A_41 = arith.constant 0 : i32
    %dma_start3A_42 = tpu.memref_slice %arg7[%dma_start3A_40, %dma_start3A_41] : memref<1x128xi32, #tpu.memory_space<vmem>> -> memref<1x128xi32, #tpu.memory_space<vmem>>
    %dma_start3A_43 = tpu.memref_squeeze %dma_start3A_42 : memref<1x128xi32, #tpu.memory_space<vmem>> -> memref<128xi32, #tpu.memory_space<vmem>>
    %dma_start3A_44 = arith.constant 0 : i32
    %dma_start3A_45 = arith.constant 0 : i32
    %dma_start3A_46 = tpu.memref_slice %arg30[%dma_start3A_44, %dma_start3A_45] : memref<4096x128xf32, #tpu.memory_space<vmem_shared>> -> memref<4096x128xf32, #tpu.memory_space<vmem_shared>>
    tpu.enqueue_indirect_dma source(%dma_start3A_46 : memref<4096x128xf32, #tpu.memory_space<vmem_shared>>) target(%arg11 : memref<128x128xf32, #tpu.memory_space<vmem>>) offsets(%dma_start3A_43 : memref<128xi32, #tpu.memory_space<vmem>>) semaphore(%arg19 : memref<!tpu.dma_semaphore, #tpu.memory_space<semaphore_mem>>)
    %add3A_47 = arith.constant 0 : i32
    %add3A_48 = arith.addi %mul3A_2, %add3A_47 : i32
    %mul3A_49 = arith.constant 128 : i32
    %mul3A_50 = arith.muli %add3A_48, %mul3A_49 : i32
    %dma_wait3A_51 = arith.constant 0 : i32
    %dma_wait3A_52 = arith.constant 0 : i32
    %dma_wait3A_53 = tpu.memref_slice %arg4[%dma_wait3A_51, %dma_wait3A_52] : memref<4096x128xf32, #tpu.memory_space<hbm>> -> memref<128x128xf32, #tpu.memory_space<hbm>>
    %dma_wait3A_54 = arith.constant 0 : i32
    %dma_wait3A_55 = arith.constant 0 : i32
    %dma_wait3A_56 = tpu.memref_slice %arg4[%dma_wait3A_54, %dma_wait3A_55] : memref<4096x128xf32, #tpu.memory_space<hbm>> -> memref<128x128xf32, #tpu.memory_space<hbm>>
    tpu.wait_dma2 semaphore(%arg18 : memref<!tpu.dma_semaphore, #tpu.memory_space<semaphore_mem>>) src(%dma_wait3A_56 : memref<128x128xf32, #tpu.memory_space<hbm>>) dst(%arg10 : memref<128x128xf32, #tpu.memory_space<vmem>>)
    %dma_start3A_57 = arith.constant 0 : i32
    %dma_start3A_58 = arith.constant 0 : i32
    %dma_start3A_59 = tpu.memref_slice %arg10[%dma_start3A_57, %dma_start3A_58] : memref<128x128xf32, #tpu.memory_space<vmem>> -> memref<128x64xf32, #tpu.memory_space<vmem>>
    %dma_start3A_60 = arith.constant 0 : i32
    %dma_start3A_61 = tpu.memref_slice %arg3[%mul3A_50, %dma_start3A_60] : memref<819200x64xf32, #tpu.memory_space<hbm>> -> memref<128x64xf32, #tpu.memory_space<hbm>>
    %dma_start3A_62 = arith.constant 0 : i32
    %dma_start3A_63 = arith.constant 0 : i32
    %dma_start3A_64 = tpu.memref_slice %arg10[%dma_start3A_62, %dma_start3A_63] : memref<128x128xf32, #tpu.memory_space<vmem>> -> memref<128x64xf32, #tpu.memory_space<vmem>>
    %dma_start3A_65 = arith.constant 0 : i32
    %dma_start3A_66 = tpu.memref_slice %arg3[%mul3A_50, %dma_start3A_65] : memref<819200x64xf32, #tpu.memory_space<hbm>> -> memref<128x64xf32, #tpu.memory_space<hbm>>
    tpu.enqueue_dma source(%dma_start3A_66 : memref<128x64xf32, #tpu.memory_space<hbm>>) target(%dma_start3A_64 : memref<128x64xf32, #tpu.memory_space<vmem>>) target_semaphore(%arg22 : memref<!tpu.dma_semaphore, #tpu.memory_space<semaphore_mem>>)
    %add3A_67 = arith.constant 3 : i32
    %add3A_68 = arith.addi %mul3A_2, %add3A_67 : i32
    %dma_start3A_69 = arith.constant 0 : i32
    %dma_start3A_70 = tpu.memref_slice %arg2[%add3A_68, %dma_start3A_69] : memref<6400x128xi32, #tpu.memory_space<hbm>> -> memref<1x128xi32, #tpu.memory_space<hbm>>
    %dma_start3A_71 = arith.constant 0 : i32
    %dma_start3A_72 = tpu.memref_slice %arg2[%add3A_68, %dma_start3A_71] : memref<6400x128xi32, #tpu.memory_space<hbm>> -> memref<1x128xi32, #tpu.memory_space<hbm>>
    tpu.enqueue_dma source(%dma_start3A_72 : memref<1x128xi32, #tpu.memory_space<hbm>>) target(%arg9 : memref<1x128xi32, #tpu.memory_space<vmem>>) target_semaphore(%arg17 : memref<!tpu.dma_semaphore, #tpu.memory_space<semaphore_mem>>)
    %dma_wait3A_73 = arith.constant 0 : i32
    %dma_wait3A_74 = arith.constant 0 : i32
    %dma_wait3A_75 = tpu.memref_slice %arg2[%dma_wait3A_73, %dma_wait3A_74] : memref<6400x128xi32, #tpu.memory_space<hbm>> -> memref<1x128xi32, #tpu.memory_space<hbm>>
    %dma_wait3A_76 = arith.constant 0 : i32
    %dma_wait3A_77 = arith.constant 0 : i32
    %dma_wait3A_78 = tpu.memref_slice %arg2[%dma_wait3A_76, %dma_wait3A_77] : memref<6400x128xi32, #tpu.memory_space<hbm>> -> memref<1x128xi32, #tpu.memory_space<hbm>>
    tpu.wait_dma2 semaphore(%arg16 : memref<!tpu.dma_semaphore, #tpu.memory_space<semaphore_mem>>) src(%dma_wait3A_78 : memref<1x128xi32, #tpu.memory_space<hbm>>) dst(%arg8 : memref<1x128xi32, #tpu.memory_space<vmem>>)
    %dma_start3A_79 = arith.constant 0 : i32
    %dma_start3A_80 = arith.constant 0 : i32
    %dma_start3A_81 = tpu.memref_slice %arg8[%dma_start3A_79, %dma_start3A_80] : memref<1x128xi32, #tpu.memory_space<vmem>> -> memref<1x128xi32, #tpu.memory_space<vmem>>
    %dma_start3A_82 = tpu.memref_squeeze %dma_start3A_81 : memref<1x128xi32, #tpu.memory_space<vmem>> -> memref<128xi32, #tpu.memory_space<vmem>>
    %dma_start3A_83 = arith.constant 0 : i32
    %dma_start3A_84 = arith.constant 0 : i32
    %dma_start3A_85 = tpu.memref_slice %arg30[%dma_start3A_83, %dma_start3A_84] : memref<4096x128xf32, #tpu.memory_space<vmem_shared>> -> memref<4096x128xf32, #tpu.memory_space<vmem_shared>>
    tpu.enqueue_indirect_dma source(%dma_start3A_85 : memref<4096x128xf32, #tpu.memory_space<vmem_shared>>) target(%arg12 : memref<128x128xf32, #tpu.memory_space<vmem>>) offsets(%dma_start3A_82 : memref<128xi32, #tpu.memory_space<vmem>>) semaphore(%arg20 : memref<!tpu.dma_semaphore, #tpu.memory_space<semaphore_mem>>)
    %add3A_86 = arith.constant 1 : i32
    %add3A_87 = arith.addi %mul3A_2, %add3A_86 : i32
    %mul3A_88 = arith.constant 128 : i32
    %mul3A_89 = arith.muli %add3A_87, %mul3A_88 : i32
    %dma_wait3A_90 = arith.constant 0 : i32
    %dma_wait3A_91 = arith.constant 0 : i32
    %dma_wait3A_92 = tpu.memref_slice %arg4[%dma_wait3A_90, %dma_wait3A_91] : memref<4096x128xf32, #tpu.memory_space<hbm>> -> memref<128x128xf32, #tpu.memory_space<hbm>>
    %dma_wait3A_93 = arith.constant 0 : i32
    %dma_wait3A_94 = arith.constant 0 : i32
    %dma_wait3A_95 = tpu.memref_slice %arg4[%dma_wait3A_93, %dma_wait3A_94] : memref<4096x128xf32, #tpu.memory_space<hbm>> -> memref<128x128xf32, #tpu.memory_space<hbm>>
    tpu.wait_dma2 semaphore(%arg19 : memref<!tpu.dma_semaphore, #tpu.memory_space<semaphore_mem>>) src(%dma_wait3A_95 : memref<128x128xf32, #tpu.memory_space<hbm>>) dst(%arg11 : memref<128x128xf32, #tpu.memory_space<vmem>>)
    %dma_start3A_96 = arith.constant 0 : i32
    %dma_start3A_97 = arith.constant 0 : i32
    %dma_start3A_98 = tpu.memref_slice %arg11[%dma_start3A_96, %dma_start3A_97] : memref<128x128xf32, #tpu.memory_space<vmem>> -> memref<128x64xf32, #tpu.memory_space<vmem>>
    %dma_start3A_99 = arith.constant 0 : i32
    %dma_start3A_100 = tpu.memref_slice %arg3[%mul3A_89, %dma_start3A_99] : memref<819200x64xf32, #tpu.memory_space<hbm>> -> memref<128x64xf32, #tpu.memory_space<hbm>>
    %dma_start3A_101 = arith.constant 0 : i32
    %dma_start3A_102 = arith.constant 0 : i32
    %dma_start3A_103 = tpu.memref_slice %arg11[%dma_start3A_101, %dma_start3A_102] : memref<128x128xf32, #tpu.memory_space<vmem>> -> memref<128x64xf32, #tpu.memory_space<vmem>>
    %dma_start3A_104 = arith.constant 0 : i32
    %dma_start3A_105 = tpu.memref_slice %arg3[%mul3A_89, %dma_start3A_104] : memref<819200x64xf32, #tpu.memory_space<hbm>> -> memref<128x64xf32, #tpu.memory_space<hbm>>
    tpu.enqueue_dma source(%dma_start3A_105 : memref<128x64xf32, #tpu.memory_space<hbm>>) target(%dma_start3A_103 : memref<128x64xf32, #tpu.memory_space<vmem>>) target_semaphore(%arg23 : memref<!tpu.dma_semaphore, #tpu.memory_space<semaphore_mem>>)
    %add3A_106 = arith.constant 0 : i32
    %add3A_107 = arith.addi %mul3A_2, %add3A_106 : i32
    %mul3A_108 = arith.constant 128 : i32
    %mul3A_109 = arith.muli %add3A_107, %mul3A_108 : i32
    %dma_wait3A_110 = arith.constant 0 : i32
    %dma_wait3A_111 = arith.constant 0 : i32
    %dma_wait3A_112 = tpu.memref_slice %arg10[%dma_wait3A_110, %dma_wait3A_111] : memref<128x128xf32, #tpu.memory_space<vmem>> -> memref<128x64xf32, #tpu.memory_space<vmem>>
    %dma_wait3A_113 = arith.constant 0 : i32
    %dma_wait3A_114 = arith.constant 0 : i32
    %dma_wait3A_115 = tpu.memref_slice %arg3[%dma_wait3A_113, %dma_wait3A_114] : memref<819200x64xf32, #tpu.memory_space<hbm>> -> memref<128x64xf32, #tpu.memory_space<hbm>>
    %dma_wait3A_116 = arith.constant 0 : i32
    %dma_wait3A_117 = arith.constant 0 : i32
    %dma_wait3A_118 = tpu.memref_slice %arg10[%dma_wait3A_116, %dma_wait3A_117] : memref<128x128xf32, #tpu.memory_space<vmem>> -> memref<128x64xf32, #tpu.memory_space<vmem>>
    %dma_wait3A_119 = arith.constant 0 : i32
    %dma_wait3A_120 = arith.constant 0 : i32
    %dma_wait3A_121 = tpu.memref_slice %arg3[%dma_wait3A_119, %dma_wait3A_120] : memref<819200x64xf32, #tpu.memory_space<hbm>> -> memref<128x64xf32, #tpu.memory_space<hbm>>
    tpu.wait_dma2 semaphore(%arg22 : memref<!tpu.dma_semaphore, #tpu.memory_space<semaphore_mem>>) src(%dma_wait3A_121 : memref<128x64xf32, #tpu.memory_space<hbm>>) dst(%dma_wait3A_118 : memref<128x64xf32, #tpu.memory_space<vmem>>)
    %dma_start3A_122 = arith.constant 0 : i32
    %dma_start3A_123 = tpu.memref_slice %arg5[%mul3A_109, %dma_start3A_122] : memref<819200x128xf32, #tpu.memory_space<hbm>> -> memref<128x128xf32, #tpu.memory_space<hbm>>
    %dma_start3A_124 = arith.constant 0 : i32
    %dma_start3A_125 = tpu.memref_slice %arg5[%mul3A_109, %dma_start3A_124] : memref<819200x128xf32, #tpu.memory_space<hbm>> -> memref<128x128xf32, #tpu.memory_space<hbm>>
    tpu.enqueue_dma source(%arg10 : memref<128x128xf32, #tpu.memory_space<vmem>>) target(%dma_start3A_125 : memref<128x128xf32, #tpu.memory_space<hbm>>) target_semaphore(%arg26 : memref<!tpu.dma_semaphore, #tpu.memory_space<semaphore_mem>>)
    %add3A_126 = arith.constant 4 : i32
    %add3A_127 = arith.addi %mul3A_2, %add3A_126 : i32
    %dma_start3A_128 = arith.constant 0 : i32
    %dma_start3A_129 = tpu.memref_slice %arg2[%add3A_127, %dma_start3A_128] : memref<6400x128xi32, #tpu.memory_space<hbm>> -> memref<1x128xi32, #tpu.memory_space<hbm>>
    %dma_start3A_130 = arith.constant 0 : i32
    %dma_start3A_131 = tpu.memref_slice %arg2[%add3A_127, %dma_start3A_130] : memref<6400x128xi32, #tpu.memory_space<hbm>> -> memref<1x128xi32, #tpu.memory_space<hbm>>
    tpu.enqueue_dma source(%dma_start3A_131 : memref<1x128xi32, #tpu.memory_space<hbm>>) target(%arg6 : memref<1x128xi32, #tpu.memory_space<vmem>>) target_semaphore(%arg14 : memref<!tpu.dma_semaphore, #tpu.memory_space<semaphore_mem>>)
    %dma_wait3A_132 = arith.constant 0 : i32
    %dma_wait3A_133 = arith.constant 0 : i32
    %dma_wait3A_134 = tpu.memref_slice %arg2[%dma_wait3A_132, %dma_wait3A_133] : memref<6400x128xi32, #tpu.memory_space<hbm>> -> memref<1x128xi32, #tpu.memory_space<hbm>>
    %dma_wait3A_135 = arith.constant 0 : i32
    %dma_wait3A_136 = arith.constant 0 : i32
    %dma_wait3A_137 = tpu.memref_slice %arg2[%dma_wait3A_135, %dma_wait3A_136] : memref<6400x128xi32, #tpu.memory_space<hbm>> -> memref<1x128xi32, #tpu.memory_space<hbm>>
    tpu.wait_dma2 semaphore(%arg17 : memref<!tpu.dma_semaphore, #tpu.memory_space<semaphore_mem>>) src(%dma_wait3A_137 : memref<1x128xi32, #tpu.memory_space<hbm>>) dst(%arg9 : memref<1x128xi32, #tpu.memory_space<vmem>>)
    %dma_start3A_138 = arith.constant 0 : i32
    %dma_start3A_139 = arith.constant 0 : i32
    %dma_start3A_140 = tpu.memref_slice %arg9[%dma_start3A_138, %dma_start3A_139] : memref<1x128xi32, #tpu.memory_space<vmem>> -> memref<1x128xi32, #tpu.memory_space<vmem>>
    %dma_start3A_141 = tpu.memref_squeeze %dma_start3A_140 : memref<1x128xi32, #tpu.memory_space<vmem>> -> memref<128xi32, #tpu.memory_space<vmem>>
    %dma_start3A_142 = arith.constant 0 : i32
    %dma_start3A_143 = arith.constant 0 : i32
    %dma_start3A_144 = tpu.memref_slice %arg30[%dma_start3A_142, %dma_start3A_143] : memref<4096x128xf32, #tpu.memory_space<vmem_shared>> -> memref<4096x128xf32, #tpu.memory_space<vmem_shared>>
    tpu.enqueue_indirect_dma source(%dma_start3A_144 : memref<4096x128xf32, #tpu.memory_space<vmem_shared>>) target(%arg13 : memref<128x128xf32, #tpu.memory_space<vmem>>) offsets(%dma_start3A_141 : memref<128xi32, #tpu.memory_space<vmem>>) semaphore(%arg21 : memref<!tpu.dma_semaphore, #tpu.memory_space<semaphore_mem>>)
    %add3A_145 = arith.constant 2 : i32
    %add3A_146 = arith.addi %mul3A_2, %add3A_145 : i32
    %mul3A_147 = arith.constant 128 : i32
    %mul3A_148 = arith.muli %add3A_146, %mul3A_147 : i32
    %dma_wait3A_149 = arith.constant 0 : i32
    %dma_wait3A_150 = arith.constant 0 : i32
    %dma_wait3A_151 = tpu.memref_slice %arg4[%dma_wait3A_149, %dma_wait3A_150] : memref<4096x128xf32, #tpu.memory_space<hbm>> -> memref<128x128xf32, #tpu.memory_space<hbm>>
    %dma_wait3A_152 = arith.constant 0 : i32
    %dma_wait3A_153 = arith.constant 0 : i32
    %dma_wait3A_154 = tpu.memref_slice %arg4[%dma_wait3A_152, %dma_wait3A_153] : memref<4096x128xf32, #tpu.memory_space<hbm>> -> memref<128x128xf32, #tpu.memory_space<hbm>>
    tpu.wait_dma2 semaphore(%arg20 : memref<!tpu.dma_semaphore, #tpu.memory_space<semaphore_mem>>) src(%dma_wait3A_154 : memref<128x128xf32, #tpu.memory_space<hbm>>) dst(%arg12 : memref<128x128xf32, #tpu.memory_space<vmem>>)
    %dma_start3A_155 = arith.constant 0 : i32
    %dma_start3A_156 = arith.constant 0 : i32
    %dma_start3A_157 = tpu.memref_slice %arg12[%dma_start3A_155, %dma_start3A_156] : memref<128x128xf32, #tpu.memory_space<vmem>> -> memref<128x64xf32, #tpu.memory_space<vmem>>
    %dma_start3A_158 = arith.constant 0 : i32
    %dma_start3A_159 = tpu.memref_slice %arg3[%mul3A_148, %dma_start3A_158] : memref<819200x64xf32, #tpu.memory_space<hbm>> -> memref<128x64xf32, #tpu.memory_space<hbm>>
    %dma_start3A_160 = arith.constant 0 : i32
    %dma_start3A_161 = arith.constant 0 : i32
    %dma_start3A_162 = tpu.memref_slice %arg12[%dma_start3A_160, %dma_start3A_161] : memref<128x128xf32, #tpu.memory_space<vmem>> -> memref<128x64xf32, #tpu.memory_space<vmem>>
    %dma_start3A_163 = arith.constant 0 : i32
    %dma_start3A_164 = tpu.memref_slice %arg3[%mul3A_148, %dma_start3A_163] : memref<819200x64xf32, #tpu.memory_space<hbm>> -> memref<128x64xf32, #tpu.memory_space<hbm>>
    tpu.enqueue_dma source(%dma_start3A_164 : memref<128x64xf32, #tpu.memory_space<hbm>>) target(%dma_start3A_162 : memref<128x64xf32, #tpu.memory_space<vmem>>) target_semaphore(%arg24 : memref<!tpu.dma_semaphore, #tpu.memory_space<semaphore_mem>>)
    %add3A_165 = arith.constant 1 : i32
    %add3A_166 = arith.addi %mul3A_2, %add3A_165 : i32
    %mul3A_167 = arith.constant 128 : i32
    %mul3A_168 = arith.muli %add3A_166, %mul3A_167 : i32
    %dma_wait3A_169 = arith.constant 0 : i32
    %dma_wait3A_170 = arith.constant 0 : i32
    %dma_wait3A_171 = tpu.memref_slice %arg11[%dma_wait3A_169, %dma_wait3A_170] : memref<128x128xf32, #tpu.memory_space<vmem>> -> memref<128x64xf32, #tpu.memory_space<vmem>>
    %dma_wait3A_172 = arith.constant 0 : i32
    %dma_wait3A_173 = arith.constant 0 : i32
    %dma_wait3A_174 = tpu.memref_slice %arg3[%dma_wait3A_172, %dma_wait3A_173] : memref<819200x64xf32, #tpu.memory_space<hbm>> -> memref<128x64xf32, #tpu.memory_space<hbm>>
    %dma_wait3A_175 = arith.constant 0 : i32
    %dma_wait3A_176 = arith.constant 0 : i32
    %dma_wait3A_177 = tpu.memref_slice %arg11[%dma_wait3A_175, %dma_wait3A_176] : memref<128x128xf32, #tpu.memory_space<vmem>> -> memref<128x64xf32, #tpu.memory_space<vmem>>
    %dma_wait3A_178 = arith.constant 0 : i32
    %dma_wait3A_179 = arith.constant 0 : i32
    %dma_wait3A_180 = tpu.memref_slice %arg3[%dma_wait3A_178, %dma_wait3A_179] : memref<819200x64xf32, #tpu.memory_space<hbm>> -> memref<128x64xf32, #tpu.memory_space<hbm>>
    tpu.wait_dma2 semaphore(%arg23 : memref<!tpu.dma_semaphore, #tpu.memory_space<semaphore_mem>>) src(%dma_wait3A_180 : memref<128x64xf32, #tpu.memory_space<hbm>>) dst(%dma_wait3A_177 : memref<128x64xf32, #tpu.memory_space<vmem>>)
    %dma_start3A_181 = arith.constant 0 : i32
    %dma_start3A_182 = tpu.memref_slice %arg5[%mul3A_168, %dma_start3A_181] : memref<819200x128xf32, #tpu.memory_space<hbm>> -> memref<128x128xf32, #tpu.memory_space<hbm>>
    %dma_start3A_183 = arith.constant 0 : i32
    %dma_start3A_184 = tpu.memref_slice %arg5[%mul3A_168, %dma_start3A_183] : memref<819200x128xf32, #tpu.memory_space<hbm>> -> memref<128x128xf32, #tpu.memory_space<hbm>>
    tpu.enqueue_dma source(%arg11 : memref<128x128xf32, #tpu.memory_space<vmem>>) target(%dma_start3A_184 : memref<128x128xf32, #tpu.memory_space<hbm>>) target_semaphore(%arg27 : memref<!tpu.dma_semaphore, #tpu.memory_space<semaphore_mem>>)
    %dma_wait3A_185 = arith.constant 0 : i32
    %dma_wait3A_186 = arith.constant 0 : i32
    %dma_wait3A_187 = tpu.memref_slice %arg5[%dma_wait3A_185, %dma_wait3A_186] : memref<819200x128xf32, #tpu.memory_space<hbm>> -> memref<128x128xf32, #tpu.memory_space<hbm>>
    %dma_wait3A_188 = arith.constant 0 : i32
    %dma_wait3A_189 = arith.constant 0 : i32
    %dma_wait3A_190 = tpu.memref_slice %arg5[%dma_wait3A_188, %dma_wait3A_189] : memref<819200x128xf32, #tpu.memory_space<hbm>> -> memref<128x128xf32, #tpu.memory_space<hbm>>
    tpu.wait_dma2 semaphore(%arg26 : memref<!tpu.dma_semaphore, #tpu.memory_space<semaphore_mem>>) src(%arg10 : memref<128x128xf32, #tpu.memory_space<vmem>>) dst(%dma_wait3A_190 : memref<128x128xf32, #tpu.memory_space<hbm>>)
    %add3A_191 = arith.constant 5 : i32
    %add3A_192 = arith.addi %mul3A_2, %add3A_191 : i32
    %dma_start3A_193 = arith.constant 0 : i32
    %dma_start3A_194 = tpu.memref_slice %arg2[%add3A_192, %dma_start3A_193] : memref<6400x128xi32, #tpu.memory_space<hbm>> -> memref<1x128xi32, #tpu.memory_space<hbm>>
    %dma_start3A_195 = arith.constant 0 : i32
    %dma_start3A_196 = tpu.memref_slice %arg2[%add3A_192, %dma_start3A_195] : memref<6400x128xi32, #tpu.memory_space<hbm>> -> memref<1x128xi32, #tpu.memory_space<hbm>>
    tpu.enqueue_dma source(%dma_start3A_196 : memref<1x128xi32, #tpu.memory_space<hbm>>) target(%arg7 : memref<1x128xi32, #tpu.memory_space<vmem>>) target_semaphore(%arg15 : memref<!tpu.dma_semaphore, #tpu.memory_space<semaphore_mem>>)
    %scan3A = arith.constant 0 : i32
    %scan3A_197 = arith.constant 1 : i32
    %scan3A_198 = arith.constant 48 : i32
    %scan3A_199 = arith.addi %scan3A_197, %scan3A_198 : i32
    %scan3A_200 = arith.constant 1 : i32
    scf.for %scan3A_528 = %scan3A_197 to %scan3A_199 step %scan3A_200  : i32 {
      %mul3A_529 = arith.constant 4 : i32
      %mul3A_530 = arith.muli %mul3A_529, %scan3A_528 : i32
      %dma_wait3A_531 = arith.constant 0 : i32
      %dma_wait3A_532 = arith.constant 0 : i32
      %dma_wait3A_533 = tpu.memref_slice %arg2[%dma_wait3A_531, %dma_wait3A_532] : memref<6400x128xi32, #tpu.memory_space<hbm>> -> memref<1x128xi32, #tpu.memory_space<hbm>>
      %dma_wait3A_534 = arith.constant 0 : i32
      %dma_wait3A_535 = arith.constant 0 : i32
      %dma_wait3A_536 = tpu.memref_slice %arg2[%dma_wait3A_534, %dma_wait3A_535] : memref<6400x128xi32, #tpu.memory_space<hbm>> -> memref<1x128xi32, #tpu.memory_space<hbm>>
      tpu.wait_dma2 semaphore(%arg14 : memref<!tpu.dma_semaphore, #tpu.memory_space<semaphore_mem>>) src(%dma_wait3A_536 : memref<1x128xi32, #tpu.memory_space<hbm>>) dst(%arg6 : memref<1x128xi32, #tpu.memory_space<vmem>>)
      %dma_start3A_537 = arith.constant 0 : i32
      %dma_start3A_538 = arith.constant 0 : i32
      %dma_start3A_539 = tpu.memref_slice %arg6[%dma_start3A_537, %dma_start3A_538] : memref<1x128xi32, #tpu.memory_space<vmem>> -> memref<1x128xi32, #tpu.memory_space<vmem>>
      %dma_start3A_540 = tpu.memref_squeeze %dma_start3A_539 : memref<1x128xi32, #tpu.memory_space<vmem>> -> memref<128xi32, #tpu.memory_space<vmem>>
      %dma_start3A_541 = arith.constant 0 : i32
      %dma_start3A_542 = arith.constant 0 : i32
      %dma_start3A_543 = tpu.memref_slice %arg30[%dma_start3A_541, %dma_start3A_542] : memref<4096x128xf32, #tpu.memory_space<vmem_shared>> -> memref<4096x128xf32, #tpu.memory_space<vmem_shared>>
      tpu.enqueue_indirect_dma source(%dma_start3A_543 : memref<4096x128xf32, #tpu.memory_space<vmem_shared>>) target(%arg10 : memref<128x128xf32, #tpu.memory_space<vmem>>) offsets(%dma_start3A_540 : memref<128xi32, #tpu.memory_space<vmem>>) semaphore(%arg18 : memref<!tpu.dma_semaphore, #tpu.memory_space<semaphore_mem>>)
      %sub3A = arith.constant 1 : i32
      %sub3A_544 = arith.subi %mul3A_530, %sub3A : i32
      %add3A_545 = arith.addi %mul3A_2, %sub3A_544 : i32
      %mul3A_546 = arith.constant 128 : i32
      %mul3A_547 = arith.muli %add3A_545, %mul3A_546 : i32
      %dma_wait3A_548 = arith.constant 0 : i32
      %dma_wait3A_549 = arith.constant 0 : i32
      %dma_wait3A_550 = tpu.memref_slice %arg4[%dma_wait3A_548, %dma_wait3A_549] : memref<4096x128xf32, #tpu.memory_space<hbm>> -> memref<128x128xf32, #tpu.memory_space<hbm>>
      %dma_wait3A_551 = arith.constant 0 : i32
      %dma_wait3A_552 = arith.constant 0 : i32
      %dma_wait3A_553 = tpu.memref_slice %arg4[%dma_wait3A_551, %dma_wait3A_552] : memref<4096x128xf32, #tpu.memory_space<hbm>> -> memref<128x128xf32, #tpu.memory_space<hbm>>
      tpu.wait_dma2 semaphore(%arg21 : memref<!tpu.dma_semaphore, #tpu.memory_space<semaphore_mem>>) src(%dma_wait3A_553 : memref<128x128xf32, #tpu.memory_space<hbm>>) dst(%arg13 : memref<128x128xf32, #tpu.memory_space<vmem>>)
      %dma_start3A_554 = arith.constant 0 : i32
      %dma_start3A_555 = arith.constant 0 : i32
      %dma_start3A_556 = tpu.memref_slice %arg13[%dma_start3A_554, %dma_start3A_555] : memref<128x128xf32, #tpu.memory_space<vmem>> -> memref<128x64xf32, #tpu.memory_space<vmem>>
      %dma_start3A_557 = arith.constant 0 : i32
      %dma_start3A_558 = tpu.memref_slice %arg3[%mul3A_547, %dma_start3A_557] : memref<819200x64xf32, #tpu.memory_space<hbm>> -> memref<128x64xf32, #tpu.memory_space<hbm>>
      %dma_start3A_559 = arith.constant 0 : i32
      %dma_start3A_560 = arith.constant 0 : i32
      %dma_start3A_561 = tpu.memref_slice %arg13[%dma_start3A_559, %dma_start3A_560] : memref<128x128xf32, #tpu.memory_space<vmem>> -> memref<128x64xf32, #tpu.memory_space<vmem>>
      %dma_start3A_562 = arith.constant 0 : i32
      %dma_start3A_563 = tpu.memref_slice %arg3[%mul3A_547, %dma_start3A_562] : memref<819200x64xf32, #tpu.memory_space<hbm>> -> memref<128x64xf32, #tpu.memory_space<hbm>>
      tpu.enqueue_dma source(%dma_start3A_563 : memref<128x64xf32, #tpu.memory_space<hbm>>) target(%dma_start3A_561 : memref<128x64xf32, #tpu.memory_space<vmem>>) target_semaphore(%arg25 : memref<!tpu.dma_semaphore, #tpu.memory_space<semaphore_mem>>)
      %sub3A_564 = arith.constant 2 : i32
      %sub3A_565 = arith.subi %mul3A_530, %sub3A_564 : i32
      %add3A_566 = arith.addi %mul3A_2, %sub3A_565 : i32
      %mul3A_567 = arith.constant 128 : i32
      %mul3A_568 = arith.muli %add3A_566, %mul3A_567 : i32
      %dma_wait3A_569 = arith.constant 0 : i32
      %dma_wait3A_570 = arith.constant 0 : i32
      %dma_wait3A_571 = tpu.memref_slice %arg12[%dma_wait3A_569, %dma_wait3A_570] : memref<128x128xf32, #tpu.memory_space<vmem>> -> memref<128x64xf32, #tpu.memory_space<vmem>>
      %dma_wait3A_572 = arith.constant 0 : i32
      %dma_wait3A_573 = arith.constant 0 : i32
      %dma_wait3A_574 = tpu.memref_slice %arg3[%dma_wait3A_572, %dma_wait3A_573] : memref<819200x64xf32, #tpu.memory_space<hbm>> -> memref<128x64xf32, #tpu.memory_space<hbm>>
      %dma_wait3A_575 = arith.constant 0 : i32
      %dma_wait3A_576 = arith.constant 0 : i32
      %dma_wait3A_577 = tpu.memref_slice %arg12[%dma_wait3A_575, %dma_wait3A_576] : memref<128x128xf32, #tpu.memory_space<vmem>> -> memref<128x64xf32, #tpu.memory_space<vmem>>
      %dma_wait3A_578 = arith.constant 0 : i32
      %dma_wait3A_579 = arith.constant 0 : i32
      %dma_wait3A_580 = tpu.memref_slice %arg3[%dma_wait3A_578, %dma_wait3A_579] : memref<819200x64xf32, #tpu.memory_space<hbm>> -> memref<128x64xf32, #tpu.memory_space<hbm>>
      tpu.wait_dma2 semaphore(%arg24 : memref<!tpu.dma_semaphore, #tpu.memory_space<semaphore_mem>>) src(%dma_wait3A_580 : memref<128x64xf32, #tpu.memory_space<hbm>>) dst(%dma_wait3A_577 : memref<128x64xf32, #tpu.memory_space<vmem>>)
      %dma_start3A_581 = arith.constant 0 : i32
      %dma_start3A_582 = tpu.memref_slice %arg5[%mul3A_568, %dma_start3A_581] : memref<819200x128xf32, #tpu.memory_space<hbm>> -> memref<128x128xf32, #tpu.memory_space<hbm>>
      %dma_start3A_583 = arith.constant 0 : i32
      %dma_start3A_584 = tpu.memref_slice %arg5[%mul3A_568, %dma_start3A_583] : memref<819200x128xf32, #tpu.memory_space<hbm>> -> memref<128x128xf32, #tpu.memory_space<hbm>>
      tpu.enqueue_dma source(%arg12 : memref<128x128xf32, #tpu.memory_space<vmem>>) target(%dma_start3A_584 : memref<128x128xf32, #tpu.memory_space<hbm>>) target_semaphore(%arg28 : memref<!tpu.dma_semaphore, #tpu.memory_space<semaphore_mem>>)
      %dma_wait3A_585 = arith.constant 0 : i32
      %dma_wait3A_586 = arith.constant 0 : i32
      %dma_wait3A_587 = tpu.memref_slice %arg5[%dma_wait3A_585, %dma_wait3A_586] : memref<819200x128xf32, #tpu.memory_space<hbm>> -> memref<128x128xf32, #tpu.memory_space<hbm>>
      %dma_wait3A_588 = arith.constant 0 : i32
      %dma_wait3A_589 = arith.constant 0 : i32
      %dma_wait3A_590 = tpu.memref_slice %arg5[%dma_wait3A_588, %dma_wait3A_589] : memref<819200x128xf32, #tpu.memory_space<hbm>> -> memref<128x128xf32, #tpu.memory_space<hbm>>
      tpu.wait_dma2 semaphore(%arg27 : memref<!tpu.dma_semaphore, #tpu.memory_space<semaphore_mem>>) src(%arg11 : memref<128x128xf32, #tpu.memory_space<vmem>>) dst(%dma_wait3A_590 : memref<128x128xf32, #tpu.memory_space<hbm>>)
      %add3A_591 = arith.constant 2 : i32
      %add3A_592 = arith.addi %mul3A_530, %add3A_591 : i32
      %add3A_593 = arith.addi %mul3A_2, %add3A_592 : i32
      %dma_start3A_594 = arith.constant 0 : i32
      %dma_start3A_595 = tpu.memref_slice %arg2[%add3A_593, %dma_start3A_594] : memref<6400x128xi32, #tpu.memory_space<hbm>> -> memref<1x128xi32, #tpu.memory_space<hbm>>
      %dma_start3A_596 = arith.constant 0 : i32
      %dma_start3A_597 = tpu.memref_slice %arg2[%add3A_593, %dma_start3A_596] : memref<6400x128xi32, #tpu.memory_space<hbm>> -> memref<1x128xi32, #tpu.memory_space<hbm>>
      tpu.enqueue_dma source(%dma_start3A_597 : memref<1x128xi32, #tpu.memory_space<hbm>>) target(%arg8 : memref<1x128xi32, #tpu.memory_space<vmem>>) target_semaphore(%arg16 : memref<!tpu.dma_semaphore, #tpu.memory_space<semaphore_mem>>)
      %add3A_598 = arith.constant 1 : i32
      %add3A_599 = arith.addi %mul3A_530, %add3A_598 : i32
      %dma_wait3A_600 = arith.constant 0 : i32
      %dma_wait3A_601 = arith.constant 0 : i32
      %dma_wait3A_602 = tpu.memref_slice %arg2[%dma_wait3A_600, %dma_wait3A_601] : memref<6400x128xi32, #tpu.memory_space<hbm>> -> memref<1x128xi32, #tpu.memory_space<hbm>>
      %dma_wait3A_603 = arith.constant 0 : i32
      %dma_wait3A_604 = arith.constant 0 : i32
      %dma_wait3A_605 = tpu.memref_slice %arg2[%dma_wait3A_603, %dma_wait3A_604] : memref<6400x128xi32, #tpu.memory_space<hbm>> -> memref<1x128xi32, #tpu.memory_space<hbm>>
      tpu.wait_dma2 semaphore(%arg15 : memref<!tpu.dma_semaphore, #tpu.memory_space<semaphore_mem>>) src(%dma_wait3A_605 : memref<1x128xi32, #tpu.memory_space<hbm>>) dst(%arg7 : memref<1x128xi32, #tpu.memory_space<vmem>>)
      %dma_start3A_606 = arith.constant 0 : i32
      %dma_start3A_607 = arith.constant 0 : i32
      %dma_start3A_608 = tpu.memref_slice %arg7[%dma_start3A_606, %dma_start3A_607] : memref<1x128xi32, #tpu.memory_space<vmem>> -> memref<1x128xi32, #tpu.memory_space<vmem>>
      %dma_start3A_609 = tpu.memref_squeeze %dma_start3A_608 : memref<1x128xi32, #tpu.memory_space<vmem>> -> memref<128xi32, #tpu.memory_space<vmem>>
      %dma_start3A_610 = arith.constant 0 : i32
      %dma_start3A_611 = arith.constant 0 : i32
      %dma_start3A_612 = tpu.memref_slice %arg30[%dma_start3A_610, %dma_start3A_611] : memref<4096x128xf32, #tpu.memory_space<vmem_shared>> -> memref<4096x128xf32, #tpu.memory_space<vmem_shared>>
      tpu.enqueue_indirect_dma source(%dma_start3A_612 : memref<4096x128xf32, #tpu.memory_space<vmem_shared>>) target(%arg11 : memref<128x128xf32, #tpu.memory_space<vmem>>) offsets(%dma_start3A_609 : memref<128xi32, #tpu.memory_space<vmem>>) semaphore(%arg19 : memref<!tpu.dma_semaphore, #tpu.memory_space<semaphore_mem>>)
      %sub3A_613 = arith.constant 1 : i32
      %sub3A_614 = arith.subi %add3A_599, %sub3A_613 : i32
      %add3A_615 = arith.addi %mul3A_2, %sub3A_614 : i32
      %mul3A_616 = arith.constant 128 : i32
      %mul3A_617 = arith.muli %add3A_615, %mul3A_616 : i32
      %dma_wait3A_618 = arith.constant 0 : i32
      %dma_wait3A_619 = arith.constant 0 : i32
      %dma_wait3A_620 = tpu.memref_slice %arg4[%dma_wait3A_618, %dma_wait3A_619] : memref<4096x128xf32, #tpu.memory_space<hbm>> -> memref<128x128xf32, #tpu.memory_space<hbm>>
      %dma_wait3A_621 = arith.constant 0 : i32
      %dma_wait3A_622 = arith.constant 0 : i32
      %dma_wait3A_623 = tpu.memref_slice %arg4[%dma_wait3A_621, %dma_wait3A_622] : memref<4096x128xf32, #tpu.memory_space<hbm>> -> memref<128x128xf32, #tpu.memory_space<hbm>>
      tpu.wait_dma2 semaphore(%arg18 : memref<!tpu.dma_semaphore, #tpu.memory_space<semaphore_mem>>) src(%dma_wait3A_623 : memref<128x128xf32, #tpu.memory_space<hbm>>) dst(%arg10 : memref<128x128xf32, #tpu.memory_space<vmem>>)
      %dma_start3A_624 = arith.constant 0 : i32
      %dma_start3A_625 = arith.constant 0 : i32
      %dma_start3A_626 = tpu.memref_slice %arg10[%dma_start3A_624, %dma_start3A_625] : memref<128x128xf32, #tpu.memory_space<vmem>> -> memref<128x64xf32, #tpu.memory_space<vmem>>
      %dma_start3A_627 = arith.constant 0 : i32
      %dma_start3A_628 = tpu.memref_slice %arg3[%mul3A_617, %dma_start3A_627] : memref<819200x64xf32, #tpu.memory_space<hbm>> -> memref<128x64xf32, #tpu.memory_space<hbm>>
      %dma_start3A_629 = arith.constant 0 : i32
      %dma_start3A_630 = arith.constant 0 : i32
      %dma_start3A_631 = tpu.memref_slice %arg10[%dma_start3A_629, %dma_start3A_630] : memref<128x128xf32, #tpu.memory_space<vmem>> -> memref<128x64xf32, #tpu.memory_space<vmem>>
      %dma_start3A_632 = arith.constant 0 : i32
      %dma_start3A_633 = tpu.memref_slice %arg3[%mul3A_617, %dma_start3A_632] : memref<819200x64xf32, #tpu.memory_space<hbm>> -> memref<128x64xf32, #tpu.memory_space<hbm>>
      tpu.enqueue_dma source(%dma_start3A_633 : memref<128x64xf32, #tpu.memory_space<hbm>>) target(%dma_start3A_631 : memref<128x64xf32, #tpu.memory_space<vmem>>) target_semaphore(%arg22 : memref<!tpu.dma_semaphore, #tpu.memory_space<semaphore_mem>>)
      %sub3A_634 = arith.constant 2 : i32
      %sub3A_635 = arith.subi %add3A_599, %sub3A_634 : i32
      %add3A_636 = arith.addi %mul3A_2, %sub3A_635 : i32
      %mul3A_637 = arith.constant 128 : i32
      %mul3A_638 = arith.muli %add3A_636, %mul3A_637 : i32
      %dma_wait3A_639 = arith.constant 0 : i32
      %dma_wait3A_640 = arith.constant 0 : i32
      %dma_wait3A_641 = tpu.memref_slice %arg13[%dma_wait3A_639, %dma_wait3A_640] : memref<128x128xf32, #tpu.memory_space<vmem>> -> memref<128x64xf32, #tpu.memory_space<vmem>>
      %dma_wait3A_642 = arith.constant 0 : i32
      %dma_wait3A_643 = arith.constant 0 : i32
      %dma_wait3A_644 = tpu.memref_slice %arg3[%dma_wait3A_642, %dma_wait3A_643] : memref<819200x64xf32, #tpu.memory_space<hbm>> -> memref<128x64xf32, #tpu.memory_space<hbm>>
      %dma_wait3A_645 = arith.constant 0 : i32
      %dma_wait3A_646 = arith.constant 0 : i32
      %dma_wait3A_647 = tpu.memref_slice %arg13[%dma_wait3A_645, %dma_wait3A_646] : memref<128x128xf32, #tpu.memory_space<vmem>> -> memref<128x64xf32, #tpu.memory_space<vmem>>
      %dma_wait3A_648 = arith.constant 0 : i32
      %dma_wait3A_649 = arith.constant 0 : i32
      %dma_wait3A_650 = tpu.memref_slice %arg3[%dma_wait3A_648, %dma_wait3A_649] : memref<819200x64xf32, #tpu.memory_space<hbm>> -> memref<128x64xf32, #tpu.memory_space<hbm>>
      tpu.wait_dma2 semaphore(%arg25 : memref<!tpu.dma_semaphore, #tpu.memory_space<semaphore_mem>>) src(%dma_wait3A_650 : memref<128x64xf32, #tpu.memory_space<hbm>>) dst(%dma_wait3A_647 : memref<128x64xf32, #tpu.memory_space<vmem>>)
      %dma_start3A_651 = arith.constant 0 : i32
      %dma_start3A_652 = tpu.memref_slice %arg5[%mul3A_638, %dma_start3A_651] : memref<819200x128xf32, #tpu.memory_space<hbm>> -> memref<128x128xf32, #tpu.memory_space<hbm>>
      %dma_start3A_653 = arith.constant 0 : i32
      %dma_start3A_654 = tpu.memref_slice %arg5[%mul3A_638, %dma_start3A_653] : memref<819200x128xf32, #tpu.memory_space<hbm>> -> memref<128x128xf32, #tpu.memory_space<hbm>>
      tpu.enqueue_dma source(%arg13 : memref<128x128xf32, #tpu.memory_space<vmem>>) target(%dma_start3A_654 : memref<128x128xf32, #tpu.memory_space<hbm>>) target_semaphore(%arg29 : memref<!tpu.dma_semaphore, #tpu.memory_space<semaphore_mem>>)
      %dma_wait3A_655 = arith.constant 0 : i32
      %dma_wait3A_656 = arith.constant 0 : i32
      %dma_wait3A_657 = tpu.memref_slice %arg5[%dma_wait3A_655, %dma_wait3A_656] : memref<819200x128xf32, #tpu.memory_space<hbm>> -> memref<128x128xf32, #tpu.memory_space<hbm>>
      %dma_wait3A_658 = arith.constant 0 : i32
      %dma_wait3A_659 = arith.constant 0 : i32
      %dma_wait3A_660 = tpu.memref_slice %arg5[%dma_wait3A_658, %dma_wait3A_659] : memref<819200x128xf32, #tpu.memory_space<hbm>> -> memref<128x128xf32, #tpu.memory_space<hbm>>
      tpu.wait_dma2 semaphore(%arg28 : memref<!tpu.dma_semaphore, #tpu.memory_space<semaphore_mem>>) src(%arg12 : memref<128x128xf32, #tpu.memory_space<vmem>>) dst(%dma_wait3A_660 : memref<128x128xf32, #tpu.memory_space<hbm>>)
      %add3A_661 = arith.constant 2 : i32
      %add3A_662 = arith.addi %add3A_599, %add3A_661 : i32
      %add3A_663 = arith.addi %mul3A_2, %add3A_662 : i32
      %dma_start3A_664 = arith.constant 0 : i32
      %dma_start3A_665 = tpu.memref_slice %arg2[%add3A_663, %dma_start3A_664] : memref<6400x128xi32, #tpu.memory_space<hbm>> -> memref<1x128xi32, #tpu.memory_space<hbm>>
      %dma_start3A_666 = arith.constant 0 : i32
      %dma_start3A_667 = tpu.memref_slice %arg2[%add3A_663, %dma_start3A_666] : memref<6400x128xi32, #tpu.memory_space<hbm>> -> memref<1x128xi32, #tpu.memory_space<hbm>>
      tpu.enqueue_dma source(%dma_start3A_667 : memref<1x128xi32, #tpu.memory_space<hbm>>) target(%arg9 : memref<1x128xi32, #tpu.memory_space<vmem>>) target_semaphore(%arg17 : memref<!tpu.dma_semaphore, #tpu.memory_space<semaphore_mem>>)
      %add3A_668 = arith.constant 2 : i32
      %add3A_669 = arith.addi %mul3A_530, %add3A_668 : i32
      %dma_wait3A_670 = arith.constant 0 : i32
      %dma_wait3A_671 = arith.constant 0 : i32
      %dma_wait3A_672 = tpu.memref_slice %arg2[%dma_wait3A_670, %dma_wait3A_671] : memref<6400x128xi32, #tpu.memory_space<hbm>> -> memref<1x128xi32, #tpu.memory_space<hbm>>
      %dma_wait3A_673 = arith.constant 0 : i32
      %dma_wait3A_674 = arith.constant 0 : i32
      %dma_wait3A_675 = tpu.memref_slice %arg2[%dma_wait3A_673, %dma_wait3A_674] : memref<6400x128xi32, #tpu.memory_space<hbm>> -> memref<1x128xi32, #tpu.memory_space<hbm>>
      tpu.wait_dma2 semaphore(%arg16 : memref<!tpu.dma_semaphore, #tpu.memory_space<semaphore_mem>>) src(%dma_wait3A_675 : memref<1x128xi32, #tpu.memory_space<hbm>>) dst(%arg8 : memref<1x128xi32, #tpu.memory_space<vmem>>)
      %dma_start3A_676 = arith.constant 0 : i32
      %dma_start3A_677 = arith.constant 0 : i32
      %dma_start3A_678 = tpu.memref_slice %arg8[%dma_start3A_676, %dma_start3A_677] : memref<1x128xi32, #tpu.memory_space<vmem>> -> memref<1x128xi32, #tpu.memory_space<vmem>>
      %dma_start3A_679 = tpu.memref_squeeze %dma_start3A_678 : memref<1x128xi32, #tpu.memory_space<vmem>> -> memref<128xi32, #tpu.memory_space<vmem>>
      %dma_start3A_680 = arith.constant 0 : i32
      %dma_start3A_681 = arith.constant 0 : i32
      %dma_start3A_682 = tpu.memref_slice %arg30[%dma_start3A_680, %dma_start3A_681] : memref<4096x128xf32, #tpu.memory_space<vmem_shared>> -> memref<4096x128xf32, #tpu.memory_space<vmem_shared>>
      tpu.enqueue_indirect_dma source(%dma_start3A_682 : memref<4096x128xf32, #tpu.memory_space<vmem_shared>>) target(%arg12 : memref<128x128xf32, #tpu.memory_space<vmem>>) offsets(%dma_start3A_679 : memref<128xi32, #tpu.memory_space<vmem>>) semaphore(%arg20 : memref<!tpu.dma_semaphore, #tpu.memory_space<semaphore_mem>>)
      %sub3A_683 = arith.constant 1 : i32
      %sub3A_684 = arith.subi %add3A_669, %sub3A_683 : i32
      %add3A_685 = arith.addi %mul3A_2, %sub3A_684 : i32
      %mul3A_686 = arith.constant 128 : i32
      %mul3A_687 = arith.muli %add3A_685, %mul3A_686 : i32
      %dma_wait3A_688 = arith.constant 0 : i32
      %dma_wait3A_689 = arith.constant 0 : i32
      %dma_wait3A_690 = tpu.memref_slice %arg4[%dma_wait3A_688, %dma_wait3A_689] : memref<4096x128xf32, #tpu.memory_space<hbm>> -> memref<128x128xf32, #tpu.memory_space<hbm>>
      %dma_wait3A_691 = arith.constant 0 : i32
      %dma_wait3A_692 = arith.constant 0 : i32
      %dma_wait3A_693 = tpu.memref_slice %arg4[%dma_wait3A_691, %dma_wait3A_692] : memref<4096x128xf32, #tpu.memory_space<hbm>> -> memref<128x128xf32, #tpu.memory_space<hbm>>
      tpu.wait_dma2 semaphore(%arg19 : memref<!tpu.dma_semaphore, #tpu.memory_space<semaphore_mem>>) src(%dma_wait3A_693 : memref<128x128xf32, #tpu.memory_space<hbm>>) dst(%arg11 : memref<128x128xf32, #tpu.memory_space<vmem>>)
      %dma_start3A_694 = arith.constant 0 : i32
      %dma_start3A_695 = arith.constant 0 : i32
      %dma_start3A_696 = tpu.memref_slice %arg11[%dma_start3A_694, %dma_start3A_695] : memref<128x128xf32, #tpu.memory_space<vmem>> -> memref<128x64xf32, #tpu.memory_space<vmem>>
      %dma_start3A_697 = arith.constant 0 : i32
      %dma_start3A_698 = tpu.memref_slice %arg3[%mul3A_687, %dma_start3A_697] : memref<819200x64xf32, #tpu.memory_space<hbm>> -> memref<128x64xf32, #tpu.memory_space<hbm>>
      %dma_start3A_699 = arith.constant 0 : i32
      %dma_start3A_700 = arith.constant 0 : i32
      %dma_start3A_701 = tpu.memref_slice %arg11[%dma_start3A_699, %dma_start3A_700] : memref<128x128xf32, #tpu.memory_space<vmem>> -> memref<128x64xf32, #tpu.memory_space<vmem>>
      %dma_start3A_702 = arith.constant 0 : i32
      %dma_start3A_703 = tpu.memref_slice %arg3[%mul3A_687, %dma_start3A_702] : memref<819200x64xf32, #tpu.memory_space<hbm>> -> memref<128x64xf32, #tpu.memory_space<hbm>>
      tpu.enqueue_dma source(%dma_start3A_703 : memref<128x64xf32, #tpu.memory_space<hbm>>) target(%dma_start3A_701 : memref<128x64xf32, #tpu.memory_space<vmem>>) target_semaphore(%arg23 : memref<!tpu.dma_semaphore, #tpu.memory_space<semaphore_mem>>)
      %sub3A_704 = arith.constant 2 : i32
      %sub3A_705 = arith.subi %add3A_669, %sub3A_704 : i32
      %add3A_706 = arith.addi %mul3A_2, %sub3A_705 : i32
      %mul3A_707 = arith.constant 128 : i32
      %mul3A_708 = arith.muli %add3A_706, %mul3A_707 : i32
      %dma_wait3A_709 = arith.constant 0 : i32
      %dma_wait3A_710 = arith.constant 0 : i32
      %dma_wait3A_711 = tpu.memref_slice %arg10[%dma_wait3A_709, %dma_wait3A_710] : memref<128x128xf32, #tpu.memory_space<vmem>> -> memref<128x64xf32, #tpu.memory_space<vmem>>
      %dma_wait3A_712 = arith.constant 0 : i32
      %dma_wait3A_713 = arith.constant 0 : i32
      %dma_wait3A_714 = tpu.memref_slice %arg3[%dma_wait3A_712, %dma_wait3A_713] : memref<819200x64xf32, #tpu.memory_space<hbm>> -> memref<128x64xf32, #tpu.memory_space<hbm>>
      %dma_wait3A_715 = arith.constant 0 : i32
      %dma_wait3A_716 = arith.constant 0 : i32
      %dma_wait3A_717 = tpu.memref_slice %arg10[%dma_wait3A_715, %dma_wait3A_716] : memref<128x128xf32, #tpu.memory_space<vmem>> -> memref<128x64xf32, #tpu.memory_space<vmem>>
      %dma_wait3A_718 = arith.constant 0 : i32
      %dma_wait3A_719 = arith.constant 0 : i32
      %dma_wait3A_720 = tpu.memref_slice %arg3[%dma_wait3A_718, %dma_wait3A_719] : memref<819200x64xf32, #tpu.memory_space<hbm>> -> memref<128x64xf32, #tpu.memory_space<hbm>>
      tpu.wait_dma2 semaphore(%arg22 : memref<!tpu.dma_semaphore, #tpu.memory_space<semaphore_mem>>) src(%dma_wait3A_720 : memref<128x64xf32, #tpu.memory_space<hbm>>) dst(%dma_wait3A_717 : memref<128x64xf32, #tpu.memory_space<vmem>>)
      %dma_start3A_721 = arith.constant 0 : i32
      %dma_start3A_722 = tpu.memref_slice %arg5[%mul3A_708, %dma_start3A_721] : memref<819200x128xf32, #tpu.memory_space<hbm>> -> memref<128x128xf32, #tpu.memory_space<hbm>>
      %dma_start3A_723 = arith.constant 0 : i32
      %dma_start3A_724 = tpu.memref_slice %arg5[%mul3A_708, %dma_start3A_723] : memref<819200x128xf32, #tpu.memory_space<hbm>> -> memref<128x128xf32, #tpu.memory_space<hbm>>
      tpu.enqueue_dma source(%arg10 : memref<128x128xf32, #tpu.memory_space<vmem>>) target(%dma_start3A_724 : memref<128x128xf32, #tpu.memory_space<hbm>>) target_semaphore(%arg26 : memref<!tpu.dma_semaphore, #tpu.memory_space<semaphore_mem>>)
      %dma_wait3A_725 = arith.constant 0 : i32
      %dma_wait3A_726 = arith.constant 0 : i32
      %dma_wait3A_727 = tpu.memref_slice %arg5[%dma_wait3A_725, %dma_wait3A_726] : memref<819200x128xf32, #tpu.memory_space<hbm>> -> memref<128x128xf32, #tpu.memory_space<hbm>>
      %dma_wait3A_728 = arith.constant 0 : i32
      %dma_wait3A_729 = arith.constant 0 : i32
      %dma_wait3A_730 = tpu.memref_slice %arg5[%dma_wait3A_728, %dma_wait3A_729] : memref<819200x128xf32, #tpu.memory_space<hbm>> -> memref<128x128xf32, #tpu.memory_space<hbm>>
      tpu.wait_dma2 semaphore(%arg29 : memref<!tpu.dma_semaphore, #tpu.memory_space<semaphore_mem>>) src(%arg13 : memref<128x128xf32, #tpu.memory_space<vmem>>) dst(%dma_wait3A_730 : memref<128x128xf32, #tpu.memory_space<hbm>>)
      %add3A_731 = arith.constant 2 : i32
      %add3A_732 = arith.addi %add3A_669, %add3A_731 : i32
      %add3A_733 = arith.addi %mul3A_2, %add3A_732 : i32
      %dma_start3A_734 = arith.constant 0 : i32
      %dma_start3A_735 = tpu.memref_slice %arg2[%add3A_733, %dma_start3A_734] : memref<6400x128xi32, #tpu.memory_space<hbm>> -> memref<1x128xi32, #tpu.memory_space<hbm>>
      %dma_start3A_736 = arith.constant 0 : i32
      %dma_start3A_737 = tpu.memref_slice %arg2[%add3A_733, %dma_start3A_736] : memref<6400x128xi32, #tpu.memory_space<hbm>> -> memref<1x128xi32, #tpu.memory_space<hbm>>
      tpu.enqueue_dma source(%dma_start3A_737 : memref<1x128xi32, #tpu.memory_space<hbm>>) target(%arg6 : memref<1x128xi32, #tpu.memory_space<vmem>>) target_semaphore(%arg14 : memref<!tpu.dma_semaphore, #tpu.memory_space<semaphore_mem>>)
      %add3A_738 = arith.constant 3 : i32
      %add3A_739 = arith.addi %mul3A_530, %add3A_738 : i32
      %dma_wait3A_740 = arith.constant 0 : i32
      %dma_wait3A_741 = arith.constant 0 : i32
      %dma_wait3A_742 = tpu.memref_slice %arg2[%dma_wait3A_740, %dma_wait3A_741] : memref<6400x128xi32, #tpu.memory_space<hbm>> -> memref<1x128xi32, #tpu.memory_space<hbm>>
      %dma_wait3A_743 = arith.constant 0 : i32
      %dma_wait3A_744 = arith.constant 0 : i32
      %dma_wait3A_745 = tpu.memref_slice %arg2[%dma_wait3A_743, %dma_wait3A_744] : memref<6400x128xi32, #tpu.memory_space<hbm>> -> memref<1x128xi32, #tpu.memory_space<hbm>>
      tpu.wait_dma2 semaphore(%arg17 : memref<!tpu.dma_semaphore, #tpu.memory_space<semaphore_mem>>) src(%dma_wait3A_745 : memref<1x128xi32, #tpu.memory_space<hbm>>) dst(%arg9 : memref<1x128xi32, #tpu.memory_space<vmem>>)
      %dma_start3A_746 = arith.constant 0 : i32
      %dma_start3A_747 = arith.constant 0 : i32
      %dma_start3A_748 = tpu.memref_slice %arg9[%dma_start3A_746, %dma_start3A_747] : memref<1x128xi32, #tpu.memory_space<vmem>> -> memref<1x128xi32, #tpu.memory_space<vmem>>
      %dma_start3A_749 = tpu.memref_squeeze %dma_start3A_748 : memref<1x128xi32, #tpu.memory_space<vmem>> -> memref<128xi32, #tpu.memory_space<vmem>>
      %dma_start3A_750 = arith.constant 0 : i32
      %dma_start3A_751 = arith.constant 0 : i32
      %dma_start3A_752 = tpu.memref_slice %arg30[%dma_start3A_750, %dma_start3A_751] : memref<4096x128xf32, #tpu.memory_space<vmem_shared>> -> memref<4096x128xf32, #tpu.memory_space<vmem_shared>>
      tpu.enqueue_indirect_dma source(%dma_start3A_752 : memref<4096x128xf32, #tpu.memory_space<vmem_shared>>) target(%arg13 : memref<128x128xf32, #tpu.memory_space<vmem>>) offsets(%dma_start3A_749 : memref<128xi32, #tpu.memory_space<vmem>>) semaphore(%arg21 : memref<!tpu.dma_semaphore, #tpu.memory_space<semaphore_mem>>)
      %sub3A_753 = arith.constant 1 : i32
      %sub3A_754 = arith.subi %add3A_739, %sub3A_753 : i32
      %add3A_755 = arith.addi %mul3A_2, %sub3A_754 : i32
      %mul3A_756 = arith.constant 128 : i32
      %mul3A_757 = arith.muli %add3A_755, %mul3A_756 : i32
      %dma_wait3A_758 = arith.constant 0 : i32
      %dma_wait3A_759 = arith.constant 0 : i32
      %dma_wait3A_760 = tpu.memref_slice %arg4[%dma_wait3A_758, %dma_wait3A_759] : memref<4096x128xf32, #tpu.memory_space<hbm>> -> memref<128x128xf32, #tpu.memory_space<hbm>>
      %dma_wait3A_761 = arith.constant 0 : i32
      %dma_wait3A_762 = arith.constant 0 : i32
      %dma_wait3A_763 = tpu.memref_slice %arg4[%dma_wait3A_761, %dma_wait3A_762] : memref<4096x128xf32, #tpu.memory_space<hbm>> -> memref<128x128xf32, #tpu.memory_space<hbm>>
      tpu.wait_dma2 semaphore(%arg20 : memref<!tpu.dma_semaphore, #tpu.memory_space<semaphore_mem>>) src(%dma_wait3A_763 : memref<128x128xf32, #tpu.memory_space<hbm>>) dst(%arg12 : memref<128x128xf32, #tpu.memory_space<vmem>>)
      %dma_start3A_764 = arith.constant 0 : i32
      %dma_start3A_765 = arith.constant 0 : i32
      %dma_start3A_766 = tpu.memref_slice %arg12[%dma_start3A_764, %dma_start3A_765] : memref<128x128xf32, #tpu.memory_space<vmem>> -> memref<128x64xf32, #tpu.memory_space<vmem>>
      %dma_start3A_767 = arith.constant 0 : i32
      %dma_start3A_768 = tpu.memref_slice %arg3[%mul3A_757, %dma_start3A_767] : memref<819200x64xf32, #tpu.memory_space<hbm>> -> memref<128x64xf32, #tpu.memory_space<hbm>>
      %dma_start3A_769 = arith.constant 0 : i32
      %dma_start3A_770 = arith.constant 0 : i32
      %dma_start3A_771 = tpu.memref_slice %arg12[%dma_start3A_769, %dma_start3A_770] : memref<128x128xf32, #tpu.memory_space<vmem>> -> memref<128x64xf32, #tpu.memory_space<vmem>>
      %dma_start3A_772 = arith.constant 0 : i32
      %dma_start3A_773 = tpu.memref_slice %arg3[%mul3A_757, %dma_start3A_772] : memref<819200x64xf32, #tpu.memory_space<hbm>> -> memref<128x64xf32, #tpu.memory_space<hbm>>
      tpu.enqueue_dma source(%dma_start3A_773 : memref<128x64xf32, #tpu.memory_space<hbm>>) target(%dma_start3A_771 : memref<128x64xf32, #tpu.memory_space<vmem>>) target_semaphore(%arg24 : memref<!tpu.dma_semaphore, #tpu.memory_space<semaphore_mem>>)
      %sub3A_774 = arith.constant 2 : i32
      %sub3A_775 = arith.subi %add3A_739, %sub3A_774 : i32
      %add3A_776 = arith.addi %mul3A_2, %sub3A_775 : i32
      %mul3A_777 = arith.constant 128 : i32
      %mul3A_778 = arith.muli %add3A_776, %mul3A_777 : i32
      %dma_wait3A_779 = arith.constant 0 : i32
      %dma_wait3A_780 = arith.constant 0 : i32
      %dma_wait3A_781 = tpu.memref_slice %arg11[%dma_wait3A_779, %dma_wait3A_780] : memref<128x128xf32, #tpu.memory_space<vmem>> -> memref<128x64xf32, #tpu.memory_space<vmem>>
      %dma_wait3A_782 = arith.constant 0 : i32
      %dma_wait3A_783 = arith.constant 0 : i32
      %dma_wait3A_784 = tpu.memref_slice %arg3[%dma_wait3A_782, %dma_wait3A_783] : memref<819200x64xf32, #tpu.memory_space<hbm>> -> memref<128x64xf32, #tpu.memory_space<hbm>>
      %dma_wait3A_785 = arith.constant 0 : i32
      %dma_wait3A_786 = arith.constant 0 : i32
      %dma_wait3A_787 = tpu.memref_slice %arg11[%dma_wait3A_785, %dma_wait3A_786] : memref<128x128xf32, #tpu.memory_space<vmem>> -> memref<128x64xf32, #tpu.memory_space<vmem>>
      %dma_wait3A_788 = arith.constant 0 : i32
      %dma_wait3A_789 = arith.constant 0 : i32
      %dma_wait3A_790 = tpu.memref_slice %arg3[%dma_wait3A_788, %dma_wait3A_789] : memref<819200x64xf32, #tpu.memory_space<hbm>> -> memref<128x64xf32, #tpu.memory_space<hbm>>
      tpu.wait_dma2 semaphore(%arg23 : memref<!tpu.dma_semaphore, #tpu.memory_space<semaphore_mem>>) src(%dma_wait3A_790 : memref<128x64xf32, #tpu.memory_space<hbm>>) dst(%dma_wait3A_787 : memref<128x64xf32, #tpu.memory_space<vmem>>)
      %dma_start3A_791 = arith.constant 0 : i32
      %dma_start3A_792 = tpu.memref_slice %arg5[%mul3A_778, %dma_start3A_791] : memref<819200x128xf32, #tpu.memory_space<hbm>> -> memref<128x128xf32, #tpu.memory_space<hbm>>
      %dma_start3A_793 = arith.constant 0 : i32
      %dma_start3A_794 = tpu.memref_slice %arg5[%mul3A_778, %dma_start3A_793] : memref<819200x128xf32, #tpu.memory_space<hbm>> -> memref<128x128xf32, #tpu.memory_space<hbm>>
      tpu.enqueue_dma source(%arg11 : memref<128x128xf32, #tpu.memory_space<vmem>>) target(%dma_start3A_794 : memref<128x128xf32, #tpu.memory_space<hbm>>) target_semaphore(%arg27 : memref<!tpu.dma_semaphore, #tpu.memory_space<semaphore_mem>>)
      %dma_wait3A_795 = arith.constant 0 : i32
      %dma_wait3A_796 = arith.constant 0 : i32
      %dma_wait3A_797 = tpu.memref_slice %arg5[%dma_wait3A_795, %dma_wait3A_796] : memref<819200x128xf32, #tpu.memory_space<hbm>> -> memref<128x128xf32, #tpu.memory_space<hbm>>
      %dma_wait3A_798 = arith.constant 0 : i32
      %dma_wait3A_799 = arith.constant 0 : i32
      %dma_wait3A_800 = tpu.memref_slice %arg5[%dma_wait3A_798, %dma_wait3A_799] : memref<819200x128xf32, #tpu.memory_space<hbm>> -> memref<128x128xf32, #tpu.memory_space<hbm>>
      tpu.wait_dma2 semaphore(%arg26 : memref<!tpu.dma_semaphore, #tpu.memory_space<semaphore_mem>>) src(%arg10 : memref<128x128xf32, #tpu.memory_space<vmem>>) dst(%dma_wait3A_800 : memref<128x128xf32, #tpu.memory_space<hbm>>)
      %add3A_801 = arith.constant 2 : i32
      %add3A_802 = arith.addi %add3A_739, %add3A_801 : i32
      %add3A_803 = arith.addi %mul3A_2, %add3A_802 : i32
      %dma_start3A_804 = arith.constant 0 : i32
      %dma_start3A_805 = tpu.memref_slice %arg2[%add3A_803, %dma_start3A_804] : memref<6400x128xi32, #tpu.memory_space<hbm>> -> memref<1x128xi32, #tpu.memory_space<hbm>>
      %dma_start3A_806 = arith.constant 0 : i32
      %dma_start3A_807 = tpu.memref_slice %arg2[%add3A_803, %dma_start3A_806] : memref<6400x128xi32, #tpu.memory_space<hbm>> -> memref<1x128xi32, #tpu.memory_space<hbm>>
      tpu.enqueue_dma source(%dma_start3A_807 : memref<1x128xi32, #tpu.memory_space<hbm>>) target(%arg7 : memref<1x128xi32, #tpu.memory_space<vmem>>) target_semaphore(%arg15 : memref<!tpu.dma_semaphore, #tpu.memory_space<semaphore_mem>>)
    }
    %scan3A_201 = arith.constant 48 : i32
    %dma_wait3A_202 = arith.constant 0 : i32
    %dma_wait3A_203 = arith.constant 0 : i32
    %dma_wait3A_204 = tpu.memref_slice %arg2[%dma_wait3A_202, %dma_wait3A_203] : memref<6400x128xi32, #tpu.memory_space<hbm>> -> memref<1x128xi32, #tpu.memory_space<hbm>>
    %dma_wait3A_205 = arith.constant 0 : i32
    %dma_wait3A_206 = arith.constant 0 : i32
    %dma_wait3A_207 = tpu.memref_slice %arg2[%dma_wait3A_205, %dma_wait3A_206] : memref<6400x128xi32, #tpu.memory_space<hbm>> -> memref<1x128xi32, #tpu.memory_space<hbm>>
    tpu.wait_dma2 semaphore(%arg14 : memref<!tpu.dma_semaphore, #tpu.memory_space<semaphore_mem>>) src(%dma_wait3A_207 : memref<1x128xi32, #tpu.memory_space<hbm>>) dst(%arg6 : memref<1x128xi32, #tpu.memory_space<vmem>>)
    %dma_start3A_208 = arith.constant 0 : i32
    %dma_start3A_209 = arith.constant 0 : i32
    %dma_start3A_210 = tpu.memref_slice %arg6[%dma_start3A_208, %dma_start3A_209] : memref<1x128xi32, #tpu.memory_space<vmem>> -> memref<1x128xi32, #tpu.memory_space<vmem>>
    %dma_start3A_211 = tpu.memref_squeeze %dma_start3A_210 : memref<1x128xi32, #tpu.memory_space<vmem>> -> memref<128xi32, #tpu.memory_space<vmem>>
    %dma_start3A_212 = arith.constant 0 : i32
    %dma_start3A_213 = arith.constant 0 : i32
    %dma_start3A_214 = tpu.memref_slice %arg30[%dma_start3A_212, %dma_start3A_213] : memref<4096x128xf32, #tpu.memory_space<vmem_shared>> -> memref<4096x128xf32, #tpu.memory_space<vmem_shared>>
    tpu.enqueue_indirect_dma source(%dma_start3A_214 : memref<4096x128xf32, #tpu.memory_space<vmem_shared>>) target(%arg10 : memref<128x128xf32, #tpu.memory_space<vmem>>) offsets(%dma_start3A_211 : memref<128xi32, #tpu.memory_space<vmem>>) semaphore(%arg18 : memref<!tpu.dma_semaphore, #tpu.memory_space<semaphore_mem>>)
    %add3A_215 = arith.constant 195 : i32
    %add3A_216 = arith.addi %mul3A_2, %add3A_215 : i32
    %mul3A_217 = arith.constant 128 : i32
    %mul3A_218 = arith.muli %add3A_216, %mul3A_217 : i32
    %dma_wait3A_219 = arith.constant 0 : i32
    %dma_wait3A_220 = arith.constant 0 : i32
    %dma_wait3A_221 = tpu.memref_slice %arg4[%dma_wait3A_219, %dma_wait3A_220] : memref<4096x128xf32, #tpu.memory_space<hbm>> -> memref<128x128xf32, #tpu.memory_space<hbm>>
    %dma_wait3A_222 = arith.constant 0 : i32
    %dma_wait3A_223 = arith.constant 0 : i32
    %dma_wait3A_224 = tpu.memref_slice %arg4[%dma_wait3A_222, %dma_wait3A_223] : memref<4096x128xf32, #tpu.memory_space<hbm>> -> memref<128x128xf32, #tpu.memory_space<hbm>>
    tpu.wait_dma2 semaphore(%arg21 : memref<!tpu.dma_semaphore, #tpu.memory_space<semaphore_mem>>) src(%dma_wait3A_224 : memref<128x128xf32, #tpu.memory_space<hbm>>) dst(%arg13 : memref<128x128xf32, #tpu.memory_space<vmem>>)
    %dma_start3A_225 = arith.constant 0 : i32
    %dma_start3A_226 = arith.constant 0 : i32
    %dma_start3A_227 = tpu.memref_slice %arg13[%dma_start3A_225, %dma_start3A_226] : memref<128x128xf32, #tpu.memory_space<vmem>> -> memref<128x64xf32, #tpu.memory_space<vmem>>
    %dma_start3A_228 = arith.constant 0 : i32
    %dma_start3A_229 = tpu.memref_slice %arg3[%mul3A_218, %dma_start3A_228] : memref<819200x64xf32, #tpu.memory_space<hbm>> -> memref<128x64xf32, #tpu.memory_space<hbm>>
    %dma_start3A_230 = arith.constant 0 : i32
    %dma_start3A_231 = arith.constant 0 : i32
    %dma_start3A_232 = tpu.memref_slice %arg13[%dma_start3A_230, %dma_start3A_231] : memref<128x128xf32, #tpu.memory_space<vmem>> -> memref<128x64xf32, #tpu.memory_space<vmem>>
    %dma_start3A_233 = arith.constant 0 : i32
    %dma_start3A_234 = tpu.memref_slice %arg3[%mul3A_218, %dma_start3A_233] : memref<819200x64xf32, #tpu.memory_space<hbm>> -> memref<128x64xf32, #tpu.memory_space<hbm>>
    tpu.enqueue_dma source(%dma_start3A_234 : memref<128x64xf32, #tpu.memory_space<hbm>>) target(%dma_start3A_232 : memref<128x64xf32, #tpu.memory_space<vmem>>) target_semaphore(%arg25 : memref<!tpu.dma_semaphore, #tpu.memory_space<semaphore_mem>>)
    %add3A_235 = arith.constant 194 : i32
    %add3A_236 = arith.addi %mul3A_2, %add3A_235 : i32
    %mul3A_237 = arith.constant 128 : i32
    %mul3A_238 = arith.muli %add3A_236, %mul3A_237 : i32
    %dma_wait3A_239 = arith.constant 0 : i32
    %dma_wait3A_240 = arith.constant 0 : i32
    %dma_wait3A_241 = tpu.memref_slice %arg12[%dma_wait3A_239, %dma_wait3A_240] : memref<128x128xf32, #tpu.memory_space<vmem>> -> memref<128x64xf32, #tpu.memory_space<vmem>>
    %dma_wait3A_242 = arith.constant 0 : i32
    %dma_wait3A_243 = arith.constant 0 : i32
    %dma_wait3A_244 = tpu.memref_slice %arg3[%dma_wait3A_242, %dma_wait3A_243] : memref<819200x64xf32, #tpu.memory_space<hbm>> -> memref<128x64xf32, #tpu.memory_space<hbm>>
    %dma_wait3A_245 = arith.constant 0 : i32
    %dma_wait3A_246 = arith.constant 0 : i32
    %dma_wait3A_247 = tpu.memref_slice %arg12[%dma_wait3A_245, %dma_wait3A_246] : memref<128x128xf32, #tpu.memory_space<vmem>> -> memref<128x64xf32, #tpu.memory_space<vmem>>
    %dma_wait3A_248 = arith.constant 0 : i32
    %dma_wait3A_249 = arith.constant 0 : i32
    %dma_wait3A_250 = tpu.memref_slice %arg3[%dma_wait3A_248, %dma_wait3A_249] : memref<819200x64xf32, #tpu.memory_space<hbm>> -> memref<128x64xf32, #tpu.memory_space<hbm>>
    tpu.wait_dma2 semaphore(%arg24 : memref<!tpu.dma_semaphore, #tpu.memory_space<semaphore_mem>>) src(%dma_wait3A_250 : memref<128x64xf32, #tpu.memory_space<hbm>>) dst(%dma_wait3A_247 : memref<128x64xf32, #tpu.memory_space<vmem>>)
    %dma_start3A_251 = arith.constant 0 : i32
    %dma_start3A_252 = tpu.memref_slice %arg5[%mul3A_238, %dma_start3A_251] : memref<819200x128xf32, #tpu.memory_space<hbm>> -> memref<128x128xf32, #tpu.memory_space<hbm>>
    %dma_start3A_253 = arith.constant 0 : i32
    %dma_start3A_254 = tpu.memref_slice %arg5[%mul3A_238, %dma_start3A_253] : memref<819200x128xf32, #tpu.memory_space<hbm>> -> memref<128x128xf32, #tpu.memory_space<hbm>>
    tpu.enqueue_dma source(%arg12 : memref<128x128xf32, #tpu.memory_space<vmem>>) target(%dma_start3A_254 : memref<128x128xf32, #tpu.memory_space<hbm>>) target_semaphore(%arg28 : memref<!tpu.dma_semaphore, #tpu.memory_space<semaphore_mem>>)
    %dma_wait3A_255 = arith.constant 0 : i32
    %dma_wait3A_256 = arith.constant 0 : i32
    %dma_wait3A_257 = tpu.memref_slice %arg5[%dma_wait3A_255, %dma_wait3A_256] : memref<819200x128xf32, #tpu.memory_space<hbm>> -> memref<128x128xf32, #tpu.memory_space<hbm>>
    %dma_wait3A_258 = arith.constant 0 : i32
    %dma_wait3A_259 = arith.constant 0 : i32
    %dma_wait3A_260 = tpu.memref_slice %arg5[%dma_wait3A_258, %dma_wait3A_259] : memref<819200x128xf32, #tpu.memory_space<hbm>> -> memref<128x128xf32, #tpu.memory_space<hbm>>
    tpu.wait_dma2 semaphore(%arg27 : memref<!tpu.dma_semaphore, #tpu.memory_space<semaphore_mem>>) src(%arg11 : memref<128x128xf32, #tpu.memory_space<vmem>>) dst(%dma_wait3A_260 : memref<128x128xf32, #tpu.memory_space<hbm>>)
    %add3A_261 = arith.constant 198 : i32
    %add3A_262 = arith.addi %mul3A_2, %add3A_261 : i32
    %dma_start3A_263 = arith.constant 0 : i32
    %dma_start3A_264 = tpu.memref_slice %arg2[%add3A_262, %dma_start3A_263] : memref<6400x128xi32, #tpu.memory_space<hbm>> -> memref<1x128xi32, #tpu.memory_space<hbm>>
    %dma_start3A_265 = arith.constant 0 : i32
    %dma_start3A_266 = tpu.memref_slice %arg2[%add3A_262, %dma_start3A_265] : memref<6400x128xi32, #tpu.memory_space<hbm>> -> memref<1x128xi32, #tpu.memory_space<hbm>>
    tpu.enqueue_dma source(%dma_start3A_266 : memref<1x128xi32, #tpu.memory_space<hbm>>) target(%arg8 : memref<1x128xi32, #tpu.memory_space<vmem>>) target_semaphore(%arg16 : memref<!tpu.dma_semaphore, #tpu.memory_space<semaphore_mem>>)
    %dma_wait3A_267 = arith.constant 0 : i32
    %dma_wait3A_268 = arith.constant 0 : i32
    %dma_wait3A_269 = tpu.memref_slice %arg2[%dma_wait3A_267, %dma_wait3A_268] : memref<6400x128xi32, #tpu.memory_space<hbm>> -> memref<1x128xi32, #tpu.memory_space<hbm>>
    %dma_wait3A_270 = arith.constant 0 : i32
    %dma_wait3A_271 = arith.constant 0 : i32
    %dma_wait3A_272 = tpu.memref_slice %arg2[%dma_wait3A_270, %dma_wait3A_271] : memref<6400x128xi32, #tpu.memory_space<hbm>> -> memref<1x128xi32, #tpu.memory_space<hbm>>
    tpu.wait_dma2 semaphore(%arg15 : memref<!tpu.dma_semaphore, #tpu.memory_space<semaphore_mem>>) src(%dma_wait3A_272 : memref<1x128xi32, #tpu.memory_space<hbm>>) dst(%arg7 : memref<1x128xi32, #tpu.memory_space<vmem>>)
    %dma_start3A_273 = arith.constant 0 : i32
    %dma_start3A_274 = arith.constant 0 : i32
    %dma_start3A_275 = tpu.memref_slice %arg7[%dma_start3A_273, %dma_start3A_274] : memref<1x128xi32, #tpu.memory_space<vmem>> -> memref<1x128xi32, #tpu.memory_space<vmem>>
    %dma_start3A_276 = tpu.memref_squeeze %dma_start3A_275 : memref<1x128xi32, #tpu.memory_space<vmem>> -> memref<128xi32, #tpu.memory_space<vmem>>
    %dma_start3A_277 = arith.constant 0 : i32
    %dma_start3A_278 = arith.constant 0 : i32
    %dma_start3A_279 = tpu.memref_slice %arg30[%dma_start3A_277, %dma_start3A_278] : memref<4096x128xf32, #tpu.memory_space<vmem_shared>> -> memref<4096x128xf32, #tpu.memory_space<vmem_shared>>
    tpu.enqueue_indirect_dma source(%dma_start3A_279 : memref<4096x128xf32, #tpu.memory_space<vmem_shared>>) target(%arg11 : memref<128x128xf32, #tpu.memory_space<vmem>>) offsets(%dma_start3A_276 : memref<128xi32, #tpu.memory_space<vmem>>) semaphore(%arg19 : memref<!tpu.dma_semaphore, #tpu.memory_space<semaphore_mem>>)
    %add3A_280 = arith.constant 196 : i32
    %add3A_281 = arith.addi %mul3A_2, %add3A_280 : i32
    %mul3A_282 = arith.constant 128 : i32
    %mul3A_283 = arith.muli %add3A_281, %mul3A_282 : i32
    %dma_wait3A_284 = arith.constant 0 : i32
    %dma_wait3A_285 = arith.constant 0 : i32
    %dma_wait3A_286 = tpu.memref_slice %arg4[%dma_wait3A_284, %dma_wait3A_285] : memref<4096x128xf32, #tpu.memory_space<hbm>> -> memref<128x128xf32, #tpu.memory_space<hbm>>
    %dma_wait3A_287 = arith.constant 0 : i32
    %dma_wait3A_288 = arith.constant 0 : i32
    %dma_wait3A_289 = tpu.memref_slice %arg4[%dma_wait3A_287, %dma_wait3A_288] : memref<4096x128xf32, #tpu.memory_space<hbm>> -> memref<128x128xf32, #tpu.memory_space<hbm>>
    tpu.wait_dma2 semaphore(%arg18 : memref<!tpu.dma_semaphore, #tpu.memory_space<semaphore_mem>>) src(%dma_wait3A_289 : memref<128x128xf32, #tpu.memory_space<hbm>>) dst(%arg10 : memref<128x128xf32, #tpu.memory_space<vmem>>)
    %dma_start3A_290 = arith.constant 0 : i32
    %dma_start3A_291 = arith.constant 0 : i32
    %dma_start3A_292 = tpu.memref_slice %arg10[%dma_start3A_290, %dma_start3A_291] : memref<128x128xf32, #tpu.memory_space<vmem>> -> memref<128x64xf32, #tpu.memory_space<vmem>>
    %dma_start3A_293 = arith.constant 0 : i32
    %dma_start3A_294 = tpu.memref_slice %arg3[%mul3A_283, %dma_start3A_293] : memref<819200x64xf32, #tpu.memory_space<hbm>> -> memref<128x64xf32, #tpu.memory_space<hbm>>
    %dma_start3A_295 = arith.constant 0 : i32
    %dma_start3A_296 = arith.constant 0 : i32
    %dma_start3A_297 = tpu.memref_slice %arg10[%dma_start3A_295, %dma_start3A_296] : memref<128x128xf32, #tpu.memory_space<vmem>> -> memref<128x64xf32, #tpu.memory_space<vmem>>
    %dma_start3A_298 = arith.constant 0 : i32
    %dma_start3A_299 = tpu.memref_slice %arg3[%mul3A_283, %dma_start3A_298] : memref<819200x64xf32, #tpu.memory_space<hbm>> -> memref<128x64xf32, #tpu.memory_space<hbm>>
    tpu.enqueue_dma source(%dma_start3A_299 : memref<128x64xf32, #tpu.memory_space<hbm>>) target(%dma_start3A_297 : memref<128x64xf32, #tpu.memory_space<vmem>>) target_semaphore(%arg22 : memref<!tpu.dma_semaphore, #tpu.memory_space<semaphore_mem>>)
    %add3A_300 = arith.constant 195 : i32
    %add3A_301 = arith.addi %mul3A_2, %add3A_300 : i32
    %mul3A_302 = arith.constant 128 : i32
    %mul3A_303 = arith.muli %add3A_301, %mul3A_302 : i32
    %dma_wait3A_304 = arith.constant 0 : i32
    %dma_wait3A_305 = arith.constant 0 : i32
    %dma_wait3A_306 = tpu.memref_slice %arg13[%dma_wait3A_304, %dma_wait3A_305] : memref<128x128xf32, #tpu.memory_space<vmem>> -> memref<128x64xf32, #tpu.memory_space<vmem>>
    %dma_wait3A_307 = arith.constant 0 : i32
    %dma_wait3A_308 = arith.constant 0 : i32
    %dma_wait3A_309 = tpu.memref_slice %arg3[%dma_wait3A_307, %dma_wait3A_308] : memref<819200x64xf32, #tpu.memory_space<hbm>> -> memref<128x64xf32, #tpu.memory_space<hbm>>
    %dma_wait3A_310 = arith.constant 0 : i32
    %dma_wait3A_311 = arith.constant 0 : i32
    %dma_wait3A_312 = tpu.memref_slice %arg13[%dma_wait3A_310, %dma_wait3A_311] : memref<128x128xf32, #tpu.memory_space<vmem>> -> memref<128x64xf32, #tpu.memory_space<vmem>>
    %dma_wait3A_313 = arith.constant 0 : i32
    %dma_wait3A_314 = arith.constant 0 : i32
    %dma_wait3A_315 = tpu.memref_slice %arg3[%dma_wait3A_313, %dma_wait3A_314] : memref<819200x64xf32, #tpu.memory_space<hbm>> -> memref<128x64xf32, #tpu.memory_space<hbm>>
    tpu.wait_dma2 semaphore(%arg25 : memref<!tpu.dma_semaphore, #tpu.memory_space<semaphore_mem>>) src(%dma_wait3A_315 : memref<128x64xf32, #tpu.memory_space<hbm>>) dst(%dma_wait3A_312 : memref<128x64xf32, #tpu.memory_space<vmem>>)
    %dma_start3A_316 = arith.constant 0 : i32
    %dma_start3A_317 = tpu.memref_slice %arg5[%mul3A_303, %dma_start3A_316] : memref<819200x128xf32, #tpu.memory_space<hbm>> -> memref<128x128xf32, #tpu.memory_space<hbm>>
    %dma_start3A_318 = arith.constant 0 : i32
    %dma_start3A_319 = tpu.memref_slice %arg5[%mul3A_303, %dma_start3A_318] : memref<819200x128xf32, #tpu.memory_space<hbm>> -> memref<128x128xf32, #tpu.memory_space<hbm>>
    tpu.enqueue_dma source(%arg13 : memref<128x128xf32, #tpu.memory_space<vmem>>) target(%dma_start3A_319 : memref<128x128xf32, #tpu.memory_space<hbm>>) target_semaphore(%arg29 : memref<!tpu.dma_semaphore, #tpu.memory_space<semaphore_mem>>)
    %dma_wait3A_320 = arith.constant 0 : i32
    %dma_wait3A_321 = arith.constant 0 : i32
    %dma_wait3A_322 = tpu.memref_slice %arg5[%dma_wait3A_320, %dma_wait3A_321] : memref<819200x128xf32, #tpu.memory_space<hbm>> -> memref<128x128xf32, #tpu.memory_space<hbm>>
    %dma_wait3A_323 = arith.constant 0 : i32
    %dma_wait3A_324 = arith.constant 0 : i32
    %dma_wait3A_325 = tpu.memref_slice %arg5[%dma_wait3A_323, %dma_wait3A_324] : memref<819200x128xf32, #tpu.memory_space<hbm>> -> memref<128x128xf32, #tpu.memory_space<hbm>>
    tpu.wait_dma2 semaphore(%arg28 : memref<!tpu.dma_semaphore, #tpu.memory_space<semaphore_mem>>) src(%arg12 : memref<128x128xf32, #tpu.memory_space<vmem>>) dst(%dma_wait3A_325 : memref<128x128xf32, #tpu.memory_space<hbm>>)
    %add3A_326 = arith.constant 199 : i32
    %add3A_327 = arith.addi %mul3A_2, %add3A_326 : i32
    %dma_start3A_328 = arith.constant 0 : i32
    %dma_start3A_329 = tpu.memref_slice %arg2[%add3A_327, %dma_start3A_328] : memref<6400x128xi32, #tpu.memory_space<hbm>> -> memref<1x128xi32, #tpu.memory_space<hbm>>
    %dma_start3A_330 = arith.constant 0 : i32
    %dma_start3A_331 = tpu.memref_slice %arg2[%add3A_327, %dma_start3A_330] : memref<6400x128xi32, #tpu.memory_space<hbm>> -> memref<1x128xi32, #tpu.memory_space<hbm>>
    tpu.enqueue_dma source(%dma_start3A_331 : memref<1x128xi32, #tpu.memory_space<hbm>>) target(%arg9 : memref<1x128xi32, #tpu.memory_space<vmem>>) target_semaphore(%arg17 : memref<!tpu.dma_semaphore, #tpu.memory_space<semaphore_mem>>)
    %dma_wait3A_332 = arith.constant 0 : i32
    %dma_wait3A_333 = arith.constant 0 : i32
    %dma_wait3A_334 = tpu.memref_slice %arg2[%dma_wait3A_332, %dma_wait3A_333] : memref<6400x128xi32, #tpu.memory_space<hbm>> -> memref<1x128xi32, #tpu.memory_space<hbm>>
    %dma_wait3A_335 = arith.constant 0 : i32
    %dma_wait3A_336 = arith.constant 0 : i32
    %dma_wait3A_337 = tpu.memref_slice %arg2[%dma_wait3A_335, %dma_wait3A_336] : memref<6400x128xi32, #tpu.memory_space<hbm>> -> memref<1x128xi32, #tpu.memory_space<hbm>>
    tpu.wait_dma2 semaphore(%arg16 : memref<!tpu.dma_semaphore, #tpu.memory_space<semaphore_mem>>) src(%dma_wait3A_337 : memref<1x128xi32, #tpu.memory_space<hbm>>) dst(%arg8 : memref<1x128xi32, #tpu.memory_space<vmem>>)
    %dma_start3A_338 = arith.constant 0 : i32
    %dma_start3A_339 = arith.constant 0 : i32
    %dma_start3A_340 = tpu.memref_slice %arg8[%dma_start3A_338, %dma_start3A_339] : memref<1x128xi32, #tpu.memory_space<vmem>> -> memref<1x128xi32, #tpu.memory_space<vmem>>
    %dma_start3A_341 = tpu.memref_squeeze %dma_start3A_340 : memref<1x128xi32, #tpu.memory_space<vmem>> -> memref<128xi32, #tpu.memory_space<vmem>>
    %dma_start3A_342 = arith.constant 0 : i32
    %dma_start3A_343 = arith.constant 0 : i32
    %dma_start3A_344 = tpu.memref_slice %arg30[%dma_start3A_342, %dma_start3A_343] : memref<4096x128xf32, #tpu.memory_space<vmem_shared>> -> memref<4096x128xf32, #tpu.memory_space<vmem_shared>>
    tpu.enqueue_indirect_dma source(%dma_start3A_344 : memref<4096x128xf32, #tpu.memory_space<vmem_shared>>) target(%arg12 : memref<128x128xf32, #tpu.memory_space<vmem>>) offsets(%dma_start3A_341 : memref<128xi32, #tpu.memory_space<vmem>>) semaphore(%arg20 : memref<!tpu.dma_semaphore, #tpu.memory_space<semaphore_mem>>)
    %add3A_345 = arith.constant 197 : i32
    %add3A_346 = arith.addi %mul3A_2, %add3A_345 : i32
    %mul3A_347 = arith.constant 128 : i32
    %mul3A_348 = arith.muli %add3A_346, %mul3A_347 : i32
    %dma_wait3A_349 = arith.constant 0 : i32
    %dma_wait3A_350 = arith.constant 0 : i32
    %dma_wait3A_351 = tpu.memref_slice %arg4[%dma_wait3A_349, %dma_wait3A_350] : memref<4096x128xf32, #tpu.memory_space<hbm>> -> memref<128x128xf32, #tpu.memory_space<hbm>>
    %dma_wait3A_352 = arith.constant 0 : i32
    %dma_wait3A_353 = arith.constant 0 : i32
    %dma_wait3A_354 = tpu.memref_slice %arg4[%dma_wait3A_352, %dma_wait3A_353] : memref<4096x128xf32, #tpu.memory_space<hbm>> -> memref<128x128xf32, #tpu.memory_space<hbm>>
    tpu.wait_dma2 semaphore(%arg19 : memref<!tpu.dma_semaphore, #tpu.memory_space<semaphore_mem>>) src(%dma_wait3A_354 : memref<128x128xf32, #tpu.memory_space<hbm>>) dst(%arg11 : memref<128x128xf32, #tpu.memory_space<vmem>>)
    %dma_start3A_355 = arith.constant 0 : i32
    %dma_start3A_356 = arith.constant 0 : i32
    %dma_start3A_357 = tpu.memref_slice %arg11[%dma_start3A_355, %dma_start3A_356] : memref<128x128xf32, #tpu.memory_space<vmem>> -> memref<128x64xf32, #tpu.memory_space<vmem>>
    %dma_start3A_358 = arith.constant 0 : i32
    %dma_start3A_359 = tpu.memref_slice %arg3[%mul3A_348, %dma_start3A_358] : memref<819200x64xf32, #tpu.memory_space<hbm>> -> memref<128x64xf32, #tpu.memory_space<hbm>>
    %dma_start3A_360 = arith.constant 0 : i32
    %dma_start3A_361 = arith.constant 0 : i32
    %dma_start3A_362 = tpu.memref_slice %arg11[%dma_start3A_360, %dma_start3A_361] : memref<128x128xf32, #tpu.memory_space<vmem>> -> memref<128x64xf32, #tpu.memory_space<vmem>>
    %dma_start3A_363 = arith.constant 0 : i32
    %dma_start3A_364 = tpu.memref_slice %arg3[%mul3A_348, %dma_start3A_363] : memref<819200x64xf32, #tpu.memory_space<hbm>> -> memref<128x64xf32, #tpu.memory_space<hbm>>
    tpu.enqueue_dma source(%dma_start3A_364 : memref<128x64xf32, #tpu.memory_space<hbm>>) target(%dma_start3A_362 : memref<128x64xf32, #tpu.memory_space<vmem>>) target_semaphore(%arg23 : memref<!tpu.dma_semaphore, #tpu.memory_space<semaphore_mem>>)
    %add3A_365 = arith.constant 196 : i32
    %add3A_366 = arith.addi %mul3A_2, %add3A_365 : i32
    %mul3A_367 = arith.constant 128 : i32
    %mul3A_368 = arith.muli %add3A_366, %mul3A_367 : i32
    %dma_wait3A_369 = arith.constant 0 : i32
    %dma_wait3A_370 = arith.constant 0 : i32
    %dma_wait3A_371 = tpu.memref_slice %arg10[%dma_wait3A_369, %dma_wait3A_370] : memref<128x128xf32, #tpu.memory_space<vmem>> -> memref<128x64xf32, #tpu.memory_space<vmem>>
    %dma_wait3A_372 = arith.constant 0 : i32
    %dma_wait3A_373 = arith.constant 0 : i32
    %dma_wait3A_374 = tpu.memref_slice %arg3[%dma_wait3A_372, %dma_wait3A_373] : memref<819200x64xf32, #tpu.memory_space<hbm>> -> memref<128x64xf32, #tpu.memory_space<hbm>>
    %dma_wait3A_375 = arith.constant 0 : i32
    %dma_wait3A_376 = arith.constant 0 : i32
    %dma_wait3A_377 = tpu.memref_slice %arg10[%dma_wait3A_375, %dma_wait3A_376] : memref<128x128xf32, #tpu.memory_space<vmem>> -> memref<128x64xf32, #tpu.memory_space<vmem>>
    %dma_wait3A_378 = arith.constant 0 : i32
    %dma_wait3A_379 = arith.constant 0 : i32
    %dma_wait3A_380 = tpu.memref_slice %arg3[%dma_wait3A_378, %dma_wait3A_379] : memref<819200x64xf32, #tpu.memory_space<hbm>> -> memref<128x64xf32, #tpu.memory_space<hbm>>
    tpu.wait_dma2 semaphore(%arg22 : memref<!tpu.dma_semaphore, #tpu.memory_space<semaphore_mem>>) src(%dma_wait3A_380 : memref<128x64xf32, #tpu.memory_space<hbm>>) dst(%dma_wait3A_377 : memref<128x64xf32, #tpu.memory_space<vmem>>)
    %dma_start3A_381 = arith.constant 0 : i32
    %dma_start3A_382 = tpu.memref_slice %arg5[%mul3A_368, %dma_start3A_381] : memref<819200x128xf32, #tpu.memory_space<hbm>> -> memref<128x128xf32, #tpu.memory_space<hbm>>
    %dma_start3A_383 = arith.constant 0 : i32
    %dma_start3A_384 = tpu.memref_slice %arg5[%mul3A_368, %dma_start3A_383] : memref<819200x128xf32, #tpu.memory_space<hbm>> -> memref<128x128xf32, #tpu.memory_space<hbm>>
    tpu.enqueue_dma source(%arg10 : memref<128x128xf32, #tpu.memory_space<vmem>>) target(%dma_start3A_384 : memref<128x128xf32, #tpu.memory_space<hbm>>) target_semaphore(%arg26 : memref<!tpu.dma_semaphore, #tpu.memory_space<semaphore_mem>>)
    %dma_wait3A_385 = arith.constant 0 : i32
    %dma_wait3A_386 = arith.constant 0 : i32
    %dma_wait3A_387 = tpu.memref_slice %arg5[%dma_wait3A_385, %dma_wait3A_386] : memref<819200x128xf32, #tpu.memory_space<hbm>> -> memref<128x128xf32, #tpu.memory_space<hbm>>
    %dma_wait3A_388 = arith.constant 0 : i32
    %dma_wait3A_389 = arith.constant 0 : i32
    %dma_wait3A_390 = tpu.memref_slice %arg5[%dma_wait3A_388, %dma_wait3A_389] : memref<819200x128xf32, #tpu.memory_space<hbm>> -> memref<128x128xf32, #tpu.memory_space<hbm>>
    tpu.wait_dma2 semaphore(%arg29 : memref<!tpu.dma_semaphore, #tpu.memory_space<semaphore_mem>>) src(%arg13 : memref<128x128xf32, #tpu.memory_space<vmem>>) dst(%dma_wait3A_390 : memref<128x128xf32, #tpu.memory_space<hbm>>)
    %dma_wait3A_391 = arith.constant 0 : i32
    %dma_wait3A_392 = arith.constant 0 : i32
    %dma_wait3A_393 = tpu.memref_slice %arg2[%dma_wait3A_391, %dma_wait3A_392] : memref<6400x128xi32, #tpu.memory_space<hbm>> -> memref<1x128xi32, #tpu.memory_space<hbm>>
    %dma_wait3A_394 = arith.constant 0 : i32
    %dma_wait3A_395 = arith.constant 0 : i32
    %dma_wait3A_396 = tpu.memref_slice %arg2[%dma_wait3A_394, %dma_wait3A_395] : memref<6400x128xi32, #tpu.memory_space<hbm>> -> memref<1x128xi32, #tpu.memory_space<hbm>>
    tpu.wait_dma2 semaphore(%arg17 : memref<!tpu.dma_semaphore, #tpu.memory_space<semaphore_mem>>) src(%dma_wait3A_396 : memref<1x128xi32, #tpu.memory_space<hbm>>) dst(%arg9 : memref<1x128xi32, #tpu.memory_space<vmem>>)
    %dma_start3A_397 = arith.constant 0 : i32
    %dma_start3A_398 = arith.constant 0 : i32
    %dma_start3A_399 = tpu.memref_slice %arg9[%dma_start3A_397, %dma_start3A_398] : memref<1x128xi32, #tpu.memory_space<vmem>> -> memref<1x128xi32, #tpu.memory_space<vmem>>
    %dma_start3A_400 = tpu.memref_squeeze %dma_start3A_399 : memref<1x128xi32, #tpu.memory_space<vmem>> -> memref<128xi32, #tpu.memory_space<vmem>>
    %dma_start3A_401 = arith.constant 0 : i32
    %dma_start3A_402 = arith.constant 0 : i32
    %dma_start3A_403 = tpu.memref_slice %arg30[%dma_start3A_401, %dma_start3A_402] : memref<4096x128xf32, #tpu.memory_space<vmem_shared>> -> memref<4096x128xf32, #tpu.memory_space<vmem_shared>>
    tpu.enqueue_indirect_dma source(%dma_start3A_403 : memref<4096x128xf32, #tpu.memory_space<vmem_shared>>) target(%arg13 : memref<128x128xf32, #tpu.memory_space<vmem>>) offsets(%dma_start3A_400 : memref<128xi32, #tpu.memory_space<vmem>>) semaphore(%arg21 : memref<!tpu.dma_semaphore, #tpu.memory_space<semaphore_mem>>)
    %add3A_404 = arith.constant 198 : i32
    %add3A_405 = arith.addi %mul3A_2, %add3A_404 : i32
    %mul3A_406 = arith.constant 128 : i32
    %mul3A_407 = arith.muli %add3A_405, %mul3A_406 : i32
    %dma_wait3A_408 = arith.constant 0 : i32
    %dma_wait3A_409 = arith.constant 0 : i32
    %dma_wait3A_410 = tpu.memref_slice %arg4[%dma_wait3A_408, %dma_wait3A_409] : memref<4096x128xf32, #tpu.memory_space<hbm>> -> memref<128x128xf32, #tpu.memory_space<hbm>>
    %dma_wait3A_411 = arith.constant 0 : i32
    %dma_wait3A_412 = arith.constant 0 : i32
    %dma_wait3A_413 = tpu.memref_slice %arg4[%dma_wait3A_411, %dma_wait3A_412] : memref<4096x128xf32, #tpu.memory_space<hbm>> -> memref<128x128xf32, #tpu.memory_space<hbm>>
    tpu.wait_dma2 semaphore(%arg20 : memref<!tpu.dma_semaphore, #tpu.memory_space<semaphore_mem>>) src(%dma_wait3A_413 : memref<128x128xf32, #tpu.memory_space<hbm>>) dst(%arg12 : memref<128x128xf32, #tpu.memory_space<vmem>>)
    %dma_start3A_414 = arith.constant 0 : i32
    %dma_start3A_415 = arith.constant 0 : i32
    %dma_start3A_416 = tpu.memref_slice %arg12[%dma_start3A_414, %dma_start3A_415] : memref<128x128xf32, #tpu.memory_space<vmem>> -> memref<128x64xf32, #tpu.memory_space<vmem>>
    %dma_start3A_417 = arith.constant 0 : i32
    %dma_start3A_418 = tpu.memref_slice %arg3[%mul3A_407, %dma_start3A_417] : memref<819200x64xf32, #tpu.memory_space<hbm>> -> memref<128x64xf32, #tpu.memory_space<hbm>>
    %dma_start3A_419 = arith.constant 0 : i32
    %dma_start3A_420 = arith.constant 0 : i32
    %dma_start3A_421 = tpu.memref_slice %arg12[%dma_start3A_419, %dma_start3A_420] : memref<128x128xf32, #tpu.memory_space<vmem>> -> memref<128x64xf32, #tpu.memory_space<vmem>>
    %dma_start3A_422 = arith.constant 0 : i32
    %dma_start3A_423 = tpu.memref_slice %arg3[%mul3A_407, %dma_start3A_422] : memref<819200x64xf32, #tpu.memory_space<hbm>> -> memref<128x64xf32, #tpu.memory_space<hbm>>
    tpu.enqueue_dma source(%dma_start3A_423 : memref<128x64xf32, #tpu.memory_space<hbm>>) target(%dma_start3A_421 : memref<128x64xf32, #tpu.memory_space<vmem>>) target_semaphore(%arg24 : memref<!tpu.dma_semaphore, #tpu.memory_space<semaphore_mem>>)
    %add3A_424 = arith.constant 197 : i32
    %add3A_425 = arith.addi %mul3A_2, %add3A_424 : i32
    %mul3A_426 = arith.constant 128 : i32
    %mul3A_427 = arith.muli %add3A_425, %mul3A_426 : i32
    %dma_wait3A_428 = arith.constant 0 : i32
    %dma_wait3A_429 = arith.constant 0 : i32
    %dma_wait3A_430 = tpu.memref_slice %arg11[%dma_wait3A_428, %dma_wait3A_429] : memref<128x128xf32, #tpu.memory_space<vmem>> -> memref<128x64xf32, #tpu.memory_space<vmem>>
    %dma_wait3A_431 = arith.constant 0 : i32
    %dma_wait3A_432 = arith.constant 0 : i32
    %dma_wait3A_433 = tpu.memref_slice %arg3[%dma_wait3A_431, %dma_wait3A_432] : memref<819200x64xf32, #tpu.memory_space<hbm>> -> memref<128x64xf32, #tpu.memory_space<hbm>>
    %dma_wait3A_434 = arith.constant 0 : i32
    %dma_wait3A_435 = arith.constant 0 : i32
    %dma_wait3A_436 = tpu.memref_slice %arg11[%dma_wait3A_434, %dma_wait3A_435] : memref<128x128xf32, #tpu.memory_space<vmem>> -> memref<128x64xf32, #tpu.memory_space<vmem>>
    %dma_wait3A_437 = arith.constant 0 : i32
    %dma_wait3A_438 = arith.constant 0 : i32
    %dma_wait3A_439 = tpu.memref_slice %arg3[%dma_wait3A_437, %dma_wait3A_438] : memref<819200x64xf32, #tpu.memory_space<hbm>> -> memref<128x64xf32, #tpu.memory_space<hbm>>
    tpu.wait_dma2 semaphore(%arg23 : memref<!tpu.dma_semaphore, #tpu.memory_space<semaphore_mem>>) src(%dma_wait3A_439 : memref<128x64xf32, #tpu.memory_space<hbm>>) dst(%dma_wait3A_436 : memref<128x64xf32, #tpu.memory_space<vmem>>)
    %dma_start3A_440 = arith.constant 0 : i32
    %dma_start3A_441 = tpu.memref_slice %arg5[%mul3A_427, %dma_start3A_440] : memref<819200x128xf32, #tpu.memory_space<hbm>> -> memref<128x128xf32, #tpu.memory_space<hbm>>
    %dma_start3A_442 = arith.constant 0 : i32
    %dma_start3A_443 = tpu.memref_slice %arg5[%mul3A_427, %dma_start3A_442] : memref<819200x128xf32, #tpu.memory_space<hbm>> -> memref<128x128xf32, #tpu.memory_space<hbm>>
    tpu.enqueue_dma source(%arg11 : memref<128x128xf32, #tpu.memory_space<vmem>>) target(%dma_start3A_443 : memref<128x128xf32, #tpu.memory_space<hbm>>) target_semaphore(%arg27 : memref<!tpu.dma_semaphore, #tpu.memory_space<semaphore_mem>>)
    %dma_wait3A_444 = arith.constant 0 : i32
    %dma_wait3A_445 = arith.constant 0 : i32
    %dma_wait3A_446 = tpu.memref_slice %arg5[%dma_wait3A_444, %dma_wait3A_445] : memref<819200x128xf32, #tpu.memory_space<hbm>> -> memref<128x128xf32, #tpu.memory_space<hbm>>
    %dma_wait3A_447 = arith.constant 0 : i32
    %dma_wait3A_448 = arith.constant 0 : i32
    %dma_wait3A_449 = tpu.memref_slice %arg5[%dma_wait3A_447, %dma_wait3A_448] : memref<819200x128xf32, #tpu.memory_space<hbm>> -> memref<128x128xf32, #tpu.memory_space<hbm>>
    tpu.wait_dma2 semaphore(%arg26 : memref<!tpu.dma_semaphore, #tpu.memory_space<semaphore_mem>>) src(%arg10 : memref<128x128xf32, #tpu.memory_space<vmem>>) dst(%dma_wait3A_449 : memref<128x128xf32, #tpu.memory_space<hbm>>)
    %add3A_450 = arith.constant 199 : i32
    %add3A_451 = arith.addi %mul3A_2, %add3A_450 : i32
    %mul3A_452 = arith.constant 128 : i32
    %mul3A_453 = arith.muli %add3A_451, %mul3A_452 : i32
    %dma_wait3A_454 = arith.constant 0 : i32
    %dma_wait3A_455 = arith.constant 0 : i32
    %dma_wait3A_456 = tpu.memref_slice %arg4[%dma_wait3A_454, %dma_wait3A_455] : memref<4096x128xf32, #tpu.memory_space<hbm>> -> memref<128x128xf32, #tpu.memory_space<hbm>>
    %dma_wait3A_457 = arith.constant 0 : i32
    %dma_wait3A_458 = arith.constant 0 : i32
    %dma_wait3A_459 = tpu.memref_slice %arg4[%dma_wait3A_457, %dma_wait3A_458] : memref<4096x128xf32, #tpu.memory_space<hbm>> -> memref<128x128xf32, #tpu.memory_space<hbm>>
    tpu.wait_dma2 semaphore(%arg21 : memref<!tpu.dma_semaphore, #tpu.memory_space<semaphore_mem>>) src(%dma_wait3A_459 : memref<128x128xf32, #tpu.memory_space<hbm>>) dst(%arg13 : memref<128x128xf32, #tpu.memory_space<vmem>>)
    %dma_start3A_460 = arith.constant 0 : i32
    %dma_start3A_461 = arith.constant 0 : i32
    %dma_start3A_462 = tpu.memref_slice %arg13[%dma_start3A_460, %dma_start3A_461] : memref<128x128xf32, #tpu.memory_space<vmem>> -> memref<128x64xf32, #tpu.memory_space<vmem>>
    %dma_start3A_463 = arith.constant 0 : i32
    %dma_start3A_464 = tpu.memref_slice %arg3[%mul3A_453, %dma_start3A_463] : memref<819200x64xf32, #tpu.memory_space<hbm>> -> memref<128x64xf32, #tpu.memory_space<hbm>>
    %dma_start3A_465 = arith.constant 0 : i32
    %dma_start3A_466 = arith.constant 0 : i32
    %dma_start3A_467 = tpu.memref_slice %arg13[%dma_start3A_465, %dma_start3A_466] : memref<128x128xf32, #tpu.memory_space<vmem>> -> memref<128x64xf32, #tpu.memory_space<vmem>>
    %dma_start3A_468 = arith.constant 0 : i32
    %dma_start3A_469 = tpu.memref_slice %arg3[%mul3A_453, %dma_start3A_468] : memref<819200x64xf32, #tpu.memory_space<hbm>> -> memref<128x64xf32, #tpu.memory_space<hbm>>
    tpu.enqueue_dma source(%dma_start3A_469 : memref<128x64xf32, #tpu.memory_space<hbm>>) target(%dma_start3A_467 : memref<128x64xf32, #tpu.memory_space<vmem>>) target_semaphore(%arg25 : memref<!tpu.dma_semaphore, #tpu.memory_space<semaphore_mem>>)
    %add3A_470 = arith.constant 198 : i32
    %add3A_471 = arith.addi %mul3A_2, %add3A_470 : i32
    %mul3A_472 = arith.constant 128 : i32
    %mul3A_473 = arith.muli %add3A_471, %mul3A_472 : i32
    %dma_wait3A_474 = arith.constant 0 : i32
    %dma_wait3A_475 = arith.constant 0 : i32
    %dma_wait3A_476 = tpu.memref_slice %arg12[%dma_wait3A_474, %dma_wait3A_475] : memref<128x128xf32, #tpu.memory_space<vmem>> -> memref<128x64xf32, #tpu.memory_space<vmem>>
    %dma_wait3A_477 = arith.constant 0 : i32
    %dma_wait3A_478 = arith.constant 0 : i32
    %dma_wait3A_479 = tpu.memref_slice %arg3[%dma_wait3A_477, %dma_wait3A_478] : memref<819200x64xf32, #tpu.memory_space<hbm>> -> memref<128x64xf32, #tpu.memory_space<hbm>>
    %dma_wait3A_480 = arith.constant 0 : i32
    %dma_wait3A_481 = arith.constant 0 : i32
    %dma_wait3A_482 = tpu.memref_slice %arg12[%dma_wait3A_480, %dma_wait3A_481] : memref<128x128xf32, #tpu.memory_space<vmem>> -> memref<128x64xf32, #tpu.memory_space<vmem>>
    %dma_wait3A_483 = arith.constant 0 : i32
    %dma_wait3A_484 = arith.constant 0 : i32
    %dma_wait3A_485 = tpu.memref_slice %arg3[%dma_wait3A_483, %dma_wait3A_484] : memref<819200x64xf32, #tpu.memory_space<hbm>> -> memref<128x64xf32, #tpu.memory_space<hbm>>
    tpu.wait_dma2 semaphore(%arg24 : memref<!tpu.dma_semaphore, #tpu.memory_space<semaphore_mem>>) src(%dma_wait3A_485 : memref<128x64xf32, #tpu.memory_space<hbm>>) dst(%dma_wait3A_482 : memref<128x64xf32, #tpu.memory_space<vmem>>)
    %dma_start3A_486 = arith.constant 0 : i32
    %dma_start3A_487 = tpu.memref_slice %arg5[%mul3A_473, %dma_start3A_486] : memref<819200x128xf32, #tpu.memory_space<hbm>> -> memref<128x128xf32, #tpu.memory_space<hbm>>
    %dma_start3A_488 = arith.constant 0 : i32
    %dma_start3A_489 = tpu.memref_slice %arg5[%mul3A_473, %dma_start3A_488] : memref<819200x128xf32, #tpu.memory_space<hbm>> -> memref<128x128xf32, #tpu.memory_space<hbm>>
    tpu.enqueue_dma source(%arg12 : memref<128x128xf32, #tpu.memory_space<vmem>>) target(%dma_start3A_489 : memref<128x128xf32, #tpu.memory_space<hbm>>) target_semaphore(%arg28 : memref<!tpu.dma_semaphore, #tpu.memory_space<semaphore_mem>>)
    %add3A_490 = arith.constant 199 : i32
    %add3A_491 = arith.addi %mul3A_2, %add3A_490 : i32
    %mul3A_492 = arith.constant 128 : i32
    %mul3A_493 = arith.muli %add3A_491, %mul3A_492 : i32
    %dma_wait3A_494 = arith.constant 0 : i32
    %dma_wait3A_495 = arith.constant 0 : i32
    %dma_wait3A_496 = tpu.memref_slice %arg13[%dma_wait3A_494, %dma_wait3A_495] : memref<128x128xf32, #tpu.memory_space<vmem>> -> memref<128x64xf32, #tpu.memory_space<vmem>>
    %dma_wait3A_497 = arith.constant 0 : i32
    %dma_wait3A_498 = arith.constant 0 : i32
    %dma_wait3A_499 = tpu.memref_slice %arg3[%dma_wait3A_497, %dma_wait3A_498] : memref<819200x64xf32, #tpu.memory_space<hbm>> -> memref<128x64xf32, #tpu.memory_space<hbm>>
    %dma_wait3A_500 = arith.constant 0 : i32
    %dma_wait3A_501 = arith.constant 0 : i32
    %dma_wait3A_502 = tpu.memref_slice %arg13[%dma_wait3A_500, %dma_wait3A_501] : memref<128x128xf32, #tpu.memory_space<vmem>> -> memref<128x64xf32, #tpu.memory_space<vmem>>
    %dma_wait3A_503 = arith.constant 0 : i32
    %dma_wait3A_504 = arith.constant 0 : i32
    %dma_wait3A_505 = tpu.memref_slice %arg3[%dma_wait3A_503, %dma_wait3A_504] : memref<819200x64xf32, #tpu.memory_space<hbm>> -> memref<128x64xf32, #tpu.memory_space<hbm>>
    tpu.wait_dma2 semaphore(%arg25 : memref<!tpu.dma_semaphore, #tpu.memory_space<semaphore_mem>>) src(%dma_wait3A_505 : memref<128x64xf32, #tpu.memory_space<hbm>>) dst(%dma_wait3A_502 : memref<128x64xf32, #tpu.memory_space<vmem>>)
    %dma_start3A_506 = arith.constant 0 : i32
    %dma_start3A_507 = tpu.memref_slice %arg5[%mul3A_493, %dma_start3A_506] : memref<819200x128xf32, #tpu.memory_space<hbm>> -> memref<128x128xf32, #tpu.memory_space<hbm>>
    %dma_start3A_508 = arith.constant 0 : i32
    %dma_start3A_509 = tpu.memref_slice %arg5[%mul3A_493, %dma_start3A_508] : memref<819200x128xf32, #tpu.memory_space<hbm>> -> memref<128x128xf32, #tpu.memory_space<hbm>>
    tpu.enqueue_dma source(%arg13 : memref<128x128xf32, #tpu.memory_space<vmem>>) target(%dma_start3A_509 : memref<128x128xf32, #tpu.memory_space<hbm>>) target_semaphore(%arg29 : memref<!tpu.dma_semaphore, #tpu.memory_space<semaphore_mem>>)
    %dma_wait3A_510 = arith.constant 0 : i32
    %dma_wait3A_511 = arith.constant 0 : i32
    %dma_wait3A_512 = tpu.memref_slice %arg5[%dma_wait3A_510, %dma_wait3A_511] : memref<819200x128xf32, #tpu.memory_space<hbm>> -> memref<128x128xf32, #tpu.memory_space<hbm>>
    %dma_wait3A_513 = arith.constant 0 : i32
    %dma_wait3A_514 = arith.constant 0 : i32
    %dma_wait3A_515 = tpu.memref_slice %arg5[%dma_wait3A_513, %dma_wait3A_514] : memref<819200x128xf32, #tpu.memory_space<hbm>> -> memref<128x128xf32, #tpu.memory_space<hbm>>
    tpu.wait_dma2 semaphore(%arg27 : memref<!tpu.dma_semaphore, #tpu.memory_space<semaphore_mem>>) src(%arg11 : memref<128x128xf32, #tpu.memory_space<vmem>>) dst(%dma_wait3A_515 : memref<128x128xf32, #tpu.memory_space<hbm>>)
    %dma_wait3A_516 = arith.constant 0 : i32
    %dma_wait3A_517 = arith.constant 0 : i32
    %dma_wait3A_518 = tpu.memref_slice %arg5[%dma_wait3A_516, %dma_wait3A_517] : memref<819200x128xf32, #tpu.memory_space<hbm>> -> memref<128x128xf32, #tpu.memory_space<hbm>>
    %dma_wait3A_519 = arith.constant 0 : i32
    %dma_wait3A_520 = arith.constant 0 : i32
    %dma_wait3A_521 = tpu.memref_slice %arg5[%dma_wait3A_519, %dma_wait3A_520] : memref<819200x128xf32, #tpu.memory_space<hbm>> -> memref<128x128xf32, #tpu.memory_space<hbm>>
    tpu.wait_dma2 semaphore(%arg28 : memref<!tpu.dma_semaphore, #tpu.memory_space<semaphore_mem>>) src(%arg12 : memref<128x128xf32, #tpu.memory_space<vmem>>) dst(%dma_wait3A_521 : memref<128x128xf32, #tpu.memory_space<hbm>>)
    %dma_wait3A_522 = arith.constant 0 : i32
    %dma_wait3A_523 = arith.constant 0 : i32
    %dma_wait3A_524 = tpu.memref_slice %arg5[%dma_wait3A_522, %dma_wait3A_523] : memref<819200x128xf32, #tpu.memory_space<hbm>> -> memref<128x128xf32, #tpu.memory_space<hbm>>
    %dma_wait3A_525 = arith.constant 0 : i32
    %dma_wait3A_526 = arith.constant 0 : i32
    %dma_wait3A_527 = tpu.memref_slice %arg5[%dma_wait3A_525, %dma_wait3A_526] : memref<819200x128xf32, #tpu.memory_space<hbm>> -> memref<128x128xf32, #tpu.memory_space<hbm>>
    tpu.wait_dma2 semaphore(%arg29 : memref<!tpu.dma_semaphore, #tpu.memory_space<semaphore_mem>>) src(%arg13 : memref<128x128xf32, #tpu.memory_space<vmem>>) dst(%dma_wait3A_527 : memref<128x128xf32, #tpu.memory_space<hbm>>)
    return
  }
}

</mosaic_0001>

<sc_bundles>
// kernel: kernel.3.cloned.1.call-start
scs
__scs_entry_jumppad:
0x0: {  	(pc) =	sbr.rel $0x88, $3  }
0x1: {  	(tag) =	ssettag $0x0;
	lr =	simm.s32 $0x1  }
0x2: {  	[smem:$0x3F9E] =	sst lr;
	_ =	strace $0xD0000000  }
0x3: {  	_ = 	snop  }
0x4: {  	_ = 	snop  }
0x5: {  	_ = 	snop  }
0x6: {  	_ = 	snop  }
0x7: {  	_ = 	snop  }
__scs_overlays_trampoline_lowered:
0x8: {  	[smem:$0x3FAD] =	sst s0  }
0x9: {  	[smem:$0x3FAE] =	sst s1  }
0xa: {  	[smem:$0x3FAF] =	sst s2  }
0xb: {  	[smem:$0x3FB0] =	sst s3  }
0xc: {  	[smem:$0x3FB1] =	sst s4  }
0xd: {  	[smem:$0x3FB2] =	sst s5  }
0xe: {  	[smem:$0x3FB3] =	sst s6  }
0xf: {  	[smem:$0x3FB4] =	sst s7  }
0x10: {  	[smem:$0x3FB5] =	sst s8  }
0x11: {  	[smem:$0x3FB6] =	sst s9;
	s0 =	simm.s32 @!p0 $0x0  }
0x12: {  	s1 =	sld [smem:$0x3F9C];
	s0 =	simm.s32 @p0 $0x1  }
0x13: {  	[smem:$0x3FB7] =	sst s0;
	s0 =	simm.s32 @!p1 $0x0  }
0x14: {  	s2 =	sld [smem:$0x3F9B];
	s0 =	simm.s32 @p1 $0x1  }
0x15: {  	[smem:$0x3FB8] =	sst s0;
	s0 =	simm.s32 @!p2 $0x0  }
0x16: {  	s3 =	sld [smem:$0x3FDB];
	s0 =	simm.s32 @p2 $0x1  }
0x17: {  	s4 =	simm.s32 $0x1BF5;
	[smem:$0x3FBA] =	sst s0  }
0x18: {  	s0 =	sld [smem:$0x3F9D];
	_ =	swait.ge [sflag:s4], $0x0  }
0x19: {  	s7 =	sld [smem:$0x3F9E]  }
0x1a: {  	s8 =	sadd.s32 $0xFFFFE003, lr  }
0x1b: {  	s9 =	sadd.s32 $0xFFFFFEF7, lr;
	s5 =	simm.s32 $0xFFFFFFFF;
	p2 =	slt.u32 s8, $0xFFFFF086  }
0x1c: {  	p1 =	slt.u32 s9, $0xF7A;
	s5 =	simm.s32 @!p2 $0x0  }
0x1d: {  	s5 =	simm.s32 @p1 $0x1;
	p0 =	seq.s32 s7, s2  }
0x1e: {  	s7 =	smul.u32 @!p0 $0xF7A, s2;
	p2 =	seq.s32 @!p0 s5, $0x0  }
0x1f: {  	s9 =	smul.u32 $0xF7A, s1;
	s8 =	simm.s32 @!p0 $0x1BF5;
	p2 =	por !p2, p0  }
0x20: {  	[sflag:s8] =	ssyncset.s32 @!p0 $0xFFFFF086;
	s6 =	sadd.s32 @!p0 s3, s7;
	s7 =	simm.s32 @!p0 $0x108  }
0x21: {  	s3 =	sadd.s32 s3, s9;
	s6 =	sadd.s32 @!p0 $0x88, s6;
	s7 =	simm.s32 @p2 $0x1082  }
0x22: {  	[simem:s7], [sflag:s8] =	dma.local @!p0 [hbm:s6], $0xF7A  }
0x23: {  	s9 =	sor.u32 $0xD0000000, s2;
	s6 =	simm.s32 $0x108;
	_ =	swait.ge @!p0 [sflag:s8], $0x0  }
0x24: {  	s3 =	sadd.s32 $0x88, s3;
	s6 =	simm.s32 @!p1 $0x1082;
	[sflag:s4] =	ssyncset.s32 $0xFFFFF086  }
0x25: {  	[simem:s6], [sflag:s4] =	dma.local [hbm:s3], $0xF7A  }
0x26: {  	[smem:$0x3F9E] =	sst s1;
	(tag) =	ssettag s2;
	_ =	strace s9  }
0x27: {  	s1 =	sld [smem:$0x3FAE]  }
0x28: {  	s2 =	sld [smem:$0x3FAF]  }
0x29: {  	s4 =	sld [smem:$0x3FB1]  }
0x2a: {  	p0 =	seq.s32 s5, $0x0;
	s5 =	sld [smem:$0x3FB2]  }
0x2b: {  	s6 =	sld [smem:$0x3FB3]  }
0x2c: {  	s7 =	sld [smem:$0x3FB4]  }
0x2d: {  	s3 =	simm.s32 $0x108;
	s8 =	sld [smem:$0x3FB5]  }
0x2e: {  	s3 =	simm.s32 @!p0 $0x1082;
	s9 =	sld [smem:$0x3FB6]  }
0x2f: {  	lr =	sadd.s32 s0, s3;
	s0 =	sld [smem:$0x3FAD]  }
0x30: {  	s3 =	sld [smem:$0x3FB0]  }
0x31: {  	[smem:$0x3FB9] =	sst s10  }
0x32: {  	s10 =	sld [smem:$0x3FB7];
	_ =	sdelay $0x3  }
0x33: {  	p0 =	seq.s32 s10, $0x1;
	s10 =	sld [smem:$0x3FB9];
	_ =	sdelay $0x3  }
0x34: {  	[smem:$0x3FB9] =	sst s10  }
0x35: {  	s10 =	sld [smem:$0x3FB8];
	_ =	sdelay $0x3  }
0x36: {  	p1 =	seq.s32 s10, $0x1;
	s10 =	sld [smem:$0x3FB9];
	_ =	sdelay $0x3  }
0x37: {  	[smem:$0x3FB9] =	sst s10  }
0x38: {  	s10 =	sld [smem:$0x3FBA]  }
0x39: {  	_ = 	snop;
	(pc) =	sbr.ind lr, $3  }
0x3a: {  	_ = 	snop  }
0x3b: {  	_ = 	snop  }
0x3c: {  	p2 =	seq.s32 s10, $0x1;
	s10 =	sld [smem:$0x3FB9]  }
0x3d: {  	_ =	shalt  }
0x3e: {  	_ =	shalt  }
0x3f: {  	_ =	shalt  }
0x40: {  	_ =	shalt  }
0x41: {  	_ =	shalt  }
0x42: {  	_ =	shalt  }
0x43: {  	_ =	shalt  }
0x44: {  	_ =	shalt  }
0x45: {  	_ =	shalt  }
0x46: {  	_ =	shalt  }
0x47: {  	_ =	shalt  }
0x48: {  	_ =	shalt  }
0x49: {  	_ =	shalt  }
0x4a: {  	_ =	shalt  }
0x4b: {  	_ =	shalt  }
0x4c: {  	_ =	shalt  }
0x4d: {  	_ =	shalt  }
0x4e: {  	_ =	shalt  }
0x4f: {  	_ =	shalt  }
0x50: {  	_ =	shalt  }
0x51: {  	_ =	shalt  }
0x52: {  	_ =	shalt  }
0x53: {  	_ =	shalt  }
0x54: {  	_ =	shalt  }
0x55: {  	_ =	shalt  }
0x56: {  	_ =	shalt  }
0x57: {  	_ =	shalt  }
0x58: {  	_ =	shalt  }
0x59: {  	_ =	shalt  }
0x5a: {  	_ =	shalt  }
0x5b: {  	_ =	shalt  }
0x5c: {  	_ =	shalt  }
0x5d: {  	_ =	shalt  }
0x5e: {  	_ =	shalt  }
0x5f: {  	_ =	shalt  }
0x60: {  	_ =	shalt  }
0x61: {  	_ =	shalt  }
0x62: {  	_ =	shalt  }
0x63: {  	_ =	shalt  }
0x64: {  	_ =	shalt  }
0x65: {  	_ =	shalt  }
0x66: {  	_ =	shalt  }
0x67: {  	_ =	shalt  }
0x68: {  	_ =	shalt  }
0x69: {  	_ =	shalt  }
0x6a: {  	_ =	shalt  }
0x6b: {  	_ =	shalt  }
0x6c: {  	_ =	shalt  }
0x6d: {  	_ =	shalt  }
0x6e: {  	_ =	shalt  }
0x6f: {  	_ =	shalt  }
0x70: {  	_ =	shalt  }
0x71: {  	_ =	shalt  }
0x72: {  	_ =	shalt  }
0x73: {  	_ =	shalt  }
0x74: {  	_ =	shalt  }
0x75: {  	_ =	shalt  }
0x76: {  	_ =	shalt  }
0x77: {  	_ =	shalt  }
0x78: {  	_ =	shalt  }
0x79: {  	_ =	shalt  }
0x7a: {  	_ =	shalt  }
0x7b: {  	_ =	shalt  }
0x7c: {  	_ =	shalt  }
0x7d: {  	_ =	shalt  }
0x7e: {  	_ =	shalt  }
0x7f: {  	_ =	shalt  }
0x80: {  	_ =	shalt  }
0x81: {  	_ =	shalt  }
0x82: {  	_ =	shalt  }
0x83: {  	_ =	shalt  }
0x84: {  	_ =	shalt  }
0x85: {  	_ =	shalt  }
0x86: {  	_ =	shalt  }
0x87: {  	_ =	shalt  }
.Lfunc_end0:
.L_simem_size_0:
called_computation_lowered:
.L_overlay_start_0:
0x88: {  	s2 =	sld [smem:$0x3FD9]  }
0x89: {  	s3 =	sld [smem:$0x3FFE];
	_ =	sdelay $0x1  }
0x8a: {  	s1 =	srdreg.scid  }
0x8b: {  	s0 =	sand.u32 $0x1, s1  }
0x8c: {  	s17 =	sshll.u32 s0, $0xA;
	s2 =	sadd.s32 s3, s2  }
0x8d: {  	s2 =	sadd.s32 s2, s17  }
0x8e: {  	[smem:$0x3FC5] =	sst s2  }
0x8f: {  	_ = 	snop  }
0x90: {  	s2 =	sld [smem:$0x3FD0];
	(tm) =	ssettm $0x1  }
0x91: {  	s18 =	sld [smem:$0x3FFB];
	_ =	sdelay $0x3  }
0x92: {  	_ =	strace s18  }
0x93: {  	s3 =	sld [smem:$0x3FFC];
	_ =	sdelay $0x3  }
0x94: {  	_ =	strace s3  }
0x95: {  	s3 =	sld [smem:$0x3FFD];
	_ =	sdelay $0x3  }
0x96: {  	_ =	strace s3  }
0x97: {  	_ =	strace $0x8FFFFFFF  }
0x98: {  	s19 =	sld [smem:$0x3FDB];
	_ =	sdelay $0x1  }
0x99: {  	s4 =	simm.s32 $_scs_section_size  }
0x9a: {  	s5 =	simm.s32 $_size__tile_overlayer_lowered;
	s6 =	simm.s32 $_tile_overlayer_lowered  }
0x9b: {  	s22 =	simm.s32 $0x1BFF;
	s21 =	sshll.u32 s6, $0x1;
	s3 =	sadd.s32 s4, s19  }
0x9c: {  	s7 =	simm.s32 $0x0;
	s20 =	sshll.u32 s5, $0x1;
	s5 =	sadd.s32 s21, s3  }
0x9d: {  	[timem:s7], [sflag:s22] =	dma.local [hbm:s5], s20  }
0x9e: {  	_ =	swait.ge [sflag:s22], s20  }
0x9f: {  	s4 =	ssub.s32 $0x0, s20;
	[sflag:s22] =	ssyncset.done $0x0  }
0xa0: {  	[sflag:s22] =	ssyncadd.s32 s4;
	_ =	sdelay $0x1  }
0xa1: {  	s23 =	simm.s32 $0x1B8B  }
0xa2: {  	_ =	swait.ge [sflag:s23], $0x1  }
0xa3: {  	[sflag:s23] =	ssyncset.done $0x0  }
0xa4: {  	s25 =	simm.s32 $0x1B8E;
	s24 =	sld [smem:$0x3FFE];
	[sflag:s23] =	ssyncadd.s32 $0xFFFFFFFF  }
0xa5: {  	s26 =	simm.s32 $execute0_lowered;
	[smem:$0x3FD2] =	sst s25  }
0xa6: {  	s5 =	sshll.u32 s26, $0x1;
	_ =	strace $0x80000046;
	[dreg:$0x1] =	wrdreg $0xFFFFFFFF  }
0xa7: {  	s28 =	simm.s32 $_size_execute0_lowered;
	s3 =	sadd.s32 s3, s5;
	[dreg:$0x0] =	wrdreg $0x0  }
0xa8: {  	s5 =	sshll.u32 s28, $0x1;
	[dreg:$0x2] =	wrdreg s3  }
0xa9: {  	[dreg:$0x3] =	wrdreg s5  }
0xaa: {  	[dreg:$0x4] =	wrdreg $0xC0  }
0xab: {  	_ =	task [dreg:s7], $0x5FFFF  }
0xac: {  	[dreg:$0x1] =	wrdreg $0xFFFFFFFF  }
0xad: {  	[dreg:$0x0] =	wrdreg $0x60  }
0xae: {  	[dreg:$0x2] =	wrdreg s24  }
0xaf: {  	[dreg:$0x3] =	wrdreg s2  }
0xb0: {  	[dreg:$0x4] =	wrdreg $0x102000  }
0xb1: {  	[dreg:$0x5] =	wrdreg $0x9  }
0xb2: {  	_ =	task.clear_ibuf [dreg:s7], $0x6FFFF;
	_ =	strace $0x90000046  }
0xb3: {  	s29 =	simm.s32 $0x9;
	_ =	strace $0x80000048  }
0xb4: {  	_ =	swait.ge [sflag:s29], $0x1  }
0xb5: {  	[sflag:s29] =	ssyncadd.s32 $0xFFFFFFFF  }
0xb6: {  	_ =	strace $0x90000048  }
0xb7: {  	_ =	sfence  }
0xb8: {  	s30 =	sld [smem:$0x0];
	_ =	sdelay $0x2  }
0xb9: {  	s31 =	sshll.u32 s1, $0xD;
	s1 =	sshrl.u32 s1, $0x2  }
0xba: {  	s3 =	sand.u32 $0x4000, s31;
	s1 =	sadd.s32 s1, s30  }
0xbb: {  	s0 =	sor.u32 s3, s0;
	s1 =	sshll.u32 s1, $0x11  }
0xbc: {  	s0 =	sor.u32 s1, s0  }
0xbd: {  	s0 =	sadd.s32 $0x8F2B, s0  }
0xbe: {  	[sflag:s0] =	ssyncadd.remote.s32 $0x1  }
0xbf: {  	_ =	sfence.sel $0xFFFF  }
0xc0: {  	[dreg:$0x0] =	wrdreg $0xFFFFFFFF;
	(pc) =	sbr.abs _section_cstart, $3  }
0xc1: {  	[dreg:$0x1] =	wrdreg $0xFFFFFFFF  }
0xc2: {  	_ =	task.clear_ibuf [dreg:s7], $0x2FFFF;
	_ =	strace $0x9FFFFFFF  }
0xc3: {  	(tm) =	ssettm $0x7FFFFFFF  }
tec
execute0_lowered:
.L_overlay_start_1:
0x0: {  	(tag) =	ssettag $0x1  }
0x1: {  	s0 =	rddreg [dreg:$0x0]  }
0x2: {  	s1 =	rddreg [dreg:$0x1]  }
0x3: {  	s4 =	srdreg.scid;
	s6 =	stileid.u32  }
0x4: {  	s2 =	rddreg [dreg:$0x2];
	s7 =	sand.u32 $0x1, s4;
	s5 =	sshll.u32 s6, $0x1  }
0x5: {  	s3 =	simm.s32 $0x0;
	s31 =	simm.s32 $0x200;
	s8 =	sor.u32 s7, s5  }
0x6: {  	s28 =	simm.s32 $0xB;
	[smem:$0x7FF] =	sst s3;
	s9 =	smul.u32 $0xC80, s8  }
0x7: {  	s4 =	sadd.s32 $0x10600, s0;
	_ =	strace $0x80000047;
	s10 =	smul.u32 $0x6400, s8  }
0x8: {  	s5 =	sadd.s32 $0x29600, s0;
	s7 =	ssub.s32 $0x2, s7;
	s11 =	smul.u32 $0x32000, s8  }
0x9: {  	s0 =	sadd.s32 $0x600, s0;
	s20 =	sshrl.u32 s7, $0x1;
	s15 =	smul.u32 $0x64000, s8  }
0xa: {  	[dreg:$0x4] =	wrdreg s0;
	s0 =	ssub.s32 s7, s20;
	s7 =	smul.u32 $0xC8, s8  }
0xb: {  	s30 =	simm.s32 $0xE;
	p0 =	sne.s32 s6, $0x0;
	s8 =	smul.u32 $0x320000, s8  }
0xc: {  	s18 =	sadd.s32 s4, s9;
	s21 =	sor.u32 $0x80, s10;
	s13 =	sor.u32 $0x100, s10  }
0xd: {  	s11 =	sadd.s32 s5, s11;
	s24 =	sadd.s32 s1, s15;
	s25 =	sadd.s32 $0x6180, s10  }
0xe: {  	s29 =	sadd.s32 $0x6200, s10;
	s0 =	smax.u32 s0, $0x1;
	s12 =	sshrl.u32 s21, $0x3  }
0xf: {  	s14 =	sshrl.u32 s13, $0x3;
	s23 =	sshll.u32 s21, $0x3;
	[dreg:$0x8] =	wrdreg s24  }
0x10: {  	s13 =	sshll.u32 s13, $0x3;
	s9 =	sshll.u32 s21, $0x4;
	s26 =	sshll.u32 s25, $0x3  }
0x11: {  	s8 =	sshrl.u32 s8, $0x3;
	s17 =	sshll.u32 s29, $0x3;
	s20 =	sshll.u32 s25, $0x4  }
0x12: {  	s21 =	sadd.s32 $0x6380, s10;
	s24 =	sshll.u32 s29, $0x4;
	[dreg:$0x12] =	wrdreg s0  }
0x13: {  	s15 =	sadd.s32 $0x40, s18;
	[dreg:$0x5] =	wrdreg s18;
	s12 =	sadd.s32 s4, s12  }
0x14: {  	s22 =	sadd.s32 s4, s14;
	s14 =	sadd.s32 s5, s13;
	s9 =	sadd.s32 s1, s9  }
0x15: {  	s16 =	sadd.s32 s5, s26;
	s8 =	sadd.s32 s1, s8;
	[dreg:$0x14] =	wrdreg s15  }
0x16: {  	s29 =	sshll.u32 s21, $0x3;
	s6 =	sshll.u32 s21, $0x4;
	[dreg:$0x6] =	wrdreg s12  }
0x17: {  	s13 =	sadd.s32 $0x30, s18;
	[dreg:$0x7] =	wrdreg s22;
	s12 =	sadd.s32 s5, s23  }
0x18: {  	[dreg:$0x9] =	wrdreg s9;
	s9 =	sadd.s32 $0x6300, s10;
	s8 =	sadd.s32 $0x61000, s8  }
0x19: {  	s10 =	sadd.s32 $0x6280, s10;
	s22 =	sshrl.u32 s21, $0x3;
	[dreg:$0x13] =	wrdreg s13  }
0x1a: {  	s6 =	sadd.s32 s1, s6;
	s21 =	sadd.s32 $0x3FFFF, s7;
	[dreg:$0xa] =	wrdreg s8  }
0x1b: {  	s13 =	simm.s32 $0x10;
	s19 =	sshrl.u32 s9, $0x3;
	[dreg:$0x11] =	wrdreg s6  }
0x1c: {  	s23 =	sshll.u32 s10, $0x3;
	[dreg:$0x18] =	wrdreg s21;
	s8 =	sadd.s32 s4, s19  }
0x1d: {  	s19 =	sadd.s32 s5, s17;
	s17 =	sadd.s32 $0x50, s18;
	[dreg:$0xb] =	wrdreg s8  }
0x1e: {  	s25 =	sshll.u32 s10, $0x4;
	s18 =	sadd.s32 $0x7FFFF, s7;
	[dreg:$0x15] =	wrdreg s17  }
0x1f: {  	s26 =	sshll.u32 s9, $0x3;
	s8 =	sadd.s32 s1, s20;
	[dreg:$0x16] =	wrdreg s18  }
0x20: {  	s10 =	sshll.u32 s9, $0x4;
	s20 =	sadd.s32 $0x3FFFE, s7;
	[dreg:$0xc] =	wrdreg s8  }
0x21: {  	s9 =	simm.s32 $0xF;
	s8 =	sadd.s32 s4, s22;
	[dreg:$0x17] =	wrdreg s20  }
0x22: {  	s22 =	sadd.s32 s5, s23;
	s23 =	sor.u32 $0x3, s7;
	[dreg:$0xd] =	wrdreg s8  }
0x23: {  	s8 =	sadd.s32 s1, s24;
	s24 =	sadd.s32 s5, s26;
	[dreg:$0x19] =	wrdreg s23  }
0x24: {  	s26 =	sadd.s32 s5, s29;
	s29 =	sor.u32 $0x5, s7;
	[dreg:$0xe] =	wrdreg s8  }
0x25: {  	s6 =	simm.s32 $0x0;
	s8 =	sadd.s32 s1, s25;
	[dreg:$0x1b] =	wrdreg s29  }
0x26: {  	s18 =	simm.s32 $0x100;
	s25 =	sor.u32 $0x4, s7;
	[dreg:$0xf] =	wrdreg s8  }
0x27: {  	s20 =	simm.s32 $0x80;
	s8 =	sadd.s32 s1, s10;
	[dreg:$0x1a] =	wrdreg s25  }
0x28: {  	s23 =	simm.s32 $0x8;
	[dreg:$0x10] =	wrdreg s8;
	s8 =	simm.s32 $0xC  }
.LBB2_1:
0x29: {  	[dreg:$0x1c] =	wrdreg s6  }
0x2a: {  	s0 =	sshrl.u32 @!p0 s2, $0x3;
	s6 =	simm.s32 @!p0 $0x1C11;
	s10 =	rddreg [dreg:$0x4]  }
0x2b: {  	[spmem:s0], [sflag:s6] =	dma.local @!p0 [hbm:s10], $0x10000  }
0x2c: {  	s0 =	simm.s32 @!p0 $0x11  }
0x2d: {  	_ =	swait.ge @!p0 [sflag:s0], $0x10000  }
0x2e: {  	[sflag:s0] =	ssyncset.done @!p0 $0x0  }
0x2f: {  	[sflag:s0] =	ssyncadd.s32 @!p0 $0xFFFF0000  }
0x30: {  	[bflag:$0x0] =	sbarrier.arrive $0xFFFF  }
0x31: {  	s6 =	rddreg [dreg:$0x5]  }
0x32: {  	[tilespmem:s3], [sflag:$0x1] =	stream.linear.gather [hbm4b:s6+s3], $0x80, $0x38;
	[tilespmem:$0x18200] =	vst v63  }
0x33: {  	s15 =	simm.s32 $0x1;
	s10 =	rddreg [dreg:$0x6]  }
0x34: {  	[tilespmem:s20], [sflag:$0x2] =	stream.linear.gather [hbm4b:s10+s3], $0x80, $0x38;
	[tilespmem:$0x18200] =	vst v63  }
0x35: {  	_ =	swait.ge [sflag:s15], $0x80  }
0x36: {  	[sflag:s15] =	ssyncset.done $0x0  }
0x37: {  	[sflag:s15] =	ssyncadd.s32 $0xFFFFFF80  }
0x38: {  	[tilespmem:s31], [sflag:$0x5] =	stream.indirect.gather [spmem:s2], $0x80, s3, s20, $0xb8;
	[tilespmem:$0x18200] =	vst v63  }
0x39: {  	s21 =	simm.s32 $0x2;
	s17 =	rddreg [dreg:$0x7]  }
0x3a: {  	[tilespmem:s18], [sflag:$0x3] =	stream.linear.gather [hbm4b:s17+s3], $0x80, $0x38;
	[tilespmem:$0x18200] =	vst v63  }
0x3b: {  	_ =	swait.ge [sflag:s21], $0x80  }
0x3c: {  	[sflag:s21] =	ssyncset.done $0x0  }
0x3d: {  	s25 =	simm.s32 $0x4200;
	s29 =	simm.s32 $0x5;
	[sflag:s21] =	ssyncadd.s32 $0xFFFFFF80  }
0x3e: {  	[tilespmem:s25], [sflag:$0x6] =	stream.indirect.gather [spmem:s2], $0x80, s20, s20, $0xb8;
	[tilespmem:$0x18200] =	vst v63  }
0x3f: {  	_ =	swait.ge [sflag:s29], $0x4000  }
0x40: {  	s0 =	simm.s32 $0x8;
	s6 =	simm.s32 $0x280;
	[sflag:s29] =	ssyncset.done $0x0  }
0x41: {  	s10 =	simm.s32 $0x200;
	s15 =	sadd.s32 $0x0, s11;
	[sflag:s29] =	ssyncadd.s32 $0xFFFFC000  }
.LBB2_2:
0x42: {  	[tilespmem:s10], [sflag:$0x9] =	stream.linear.gather [hbm4b:s15+s3], $0x40, $0x38;
	[tilespmem:$0x18200] =	vst v63  }
0x43: {  	s15 =	smov.u32 s0;
	s10 =	smov.u32 s6;
	p1 =	sne.s32 s0, $0x3F8  }
.Ltmp0:
0x44: {  	s0 =	sadd.s32 $0x8, s0;
	(pc) =	sbr.rel @p1 .LBB2_2-.Ltmp0, $2  }
0x45: {  	_ =	sdelay $0x2  }
0x46: {  	s6 =	sadd.s32 $0x80, s6;
	s15 =	sadd.s32 s15, s11  }
0x47: {  	[tilespmem:s10], [sflag:$0x9] =	stream.linear.gather [hbm4b:s15+s3], $0x40, $0x38;
	[tilespmem:$0x18200] =	vst v63  }
0x48: {  	s0 =	simm.s32 $0x0  }
0x49: {  	s6 =	rddreg [dreg:$0x13];
	s17 =	simm.s32 $0x180;
	s21 =	simm.s32 $0x3  }
0x4a: {  	[tilespmem:s17], [sflag:$0x4] =	stream.linear.gather [hbm4b:s6+s0], $0x80, $0x38;
	[tilespmem:$0x18200] =	vst v63  }
0x4b: {  	_ =	swait.ge [sflag:s21], $0x80  }
0x4c: {  	[sflag:s21] =	ssyncset.done $0x0  }
0x4d: {  	s25 =	simm.s32 $0x8200;
	s29 =	simm.s32 $0x6;
	[sflag:s21] =	ssyncadd.s32 $0xFFFFFF80  }
0x4e: {  	[tilespmem:s25], [sflag:$0x7] =	stream.indirect.gather [spmem:s2], $0x80, s18, s20, $0xb8;
	[tilespmem:$0x18200] =	vst v63  }
0x4f: {  	_ =	swait.ge [sflag:s29], $0x4000  }
0x50: {  	s15 =	sadd.s32 $0x0, s12;
	s10 =	simm.s32 $0x4280;
	[sflag:s29] =	ssyncset.done $0x0  }
0x51: {  	s0 =	simm.s32 $0x4200;
	s6 =	simm.s32 $0x8;
	[sflag:s29] =	ssyncadd.s32 $0xFFFFC000  }
.LBB2_4:
0x52: {  	[tilespmem:s0], [sflag:$0xA] =	stream.linear.gather [hbm4b:s15+s3], $0x40, $0x38;
	[tilespmem:$0x18200] =	vst v63  }
0x53: {  	s15 =	smov.u32 s6;
	s0 =	smov.u32 s10;
	p1 =	sne.s32 s6, $0x3F8  }
.Ltmp1:
0x54: {  	s6 =	sadd.s32 $0x8, s6;
	(pc) =	sbr.rel @p1 .LBB2_4-.Ltmp1, $2  }
0x55: {  	_ =	sdelay $0x2  }
0x56: {  	s10 =	sadd.s32 $0x80, s10;
	s15 =	sadd.s32 s15, s12  }
0x57: {  	[tilespmem:s0], [sflag:$0xA] =	stream.linear.gather [hbm4b:s15+s3], $0x40, $0x38;
	[tilespmem:$0x18200] =	vst v63  }
0x58: {  	s6 =	simm.s32 $0x9  }
0x59: {  	_ =	swait.ge [sflag:s6], $0x2000  }
0x5a: {  	[sflag:s6] =	ssyncset.done $0x0  }
0x5b: {  	s10 =	simm.s32 $0x0;
	[sflag:s6] =	ssyncadd.s32 $0xFFFFE000;
	s6 =	rddreg [dreg:$0x8]  }
0x5c: {  	[hbm4b:s6+s10] =	stream.linear.scatter [tilespmem:s31], [sflag:$0xD], $0x4000, $0x38;
	[tilespmem:$0x18200] =	vst v63  }
0x5d: {  	s17 =	simm.s32 $0x4;
	s15 =	rddreg [dreg:$0x14]  }
0x5e: {  	[tilespmem:s10], [sflag:$0x1] =	stream.linear.gather [hbm4b:s15+s10], $0x80, $0x38;
	[tilespmem:$0x18200] =	vst v63  }
0x5f: {  	_ =	swait.ge [sflag:s17], $0x80  }
0x60: {  	s21 =	simm.s32 $0x180;
	[sflag:s17] =	ssyncset.done $0x0  }
0x61: {  	s25 =	simm.s32 $0xC200;
	s29 =	simm.s32 $0x7;
	[sflag:s17] =	ssyncadd.s32 $0xFFFFFF80  }
0x62: {  	[tilespmem:s25], [sflag:$0x8] =	stream.indirect.gather [spmem:s2], $0x80, s21, s20, $0xb8;
	[tilespmem:$0x18200] =	vst v63  }
0x63: {  	_ =	swait.ge [sflag:s29], $0x4000  }
0x64: {  	s0 =	simm.s32 $0x8200;
	s6 =	simm.s32 $0x8;
	[sflag:s29] =	ssyncset.done $0x0  }
0x65: {  	s15 =	sadd.s32 $0x0, s14;
	s10 =	simm.s32 $0x8280;
	[sflag:s29] =	ssyncadd.s32 $0xFFFFC000  }
.LBB2_6:
0x66: {  	[tilespmem:s0], [sflag:$0xB] =	stream.linear.gather [hbm4b:s15+s3], $0x40, $0x38;
	[tilespmem:$0x18200] =	vst v63  }
0x67: {  	s15 =	smov.u32 s6;
	s0 =	smov.u32 s10;
	p1 =	sne.s32 s6, $0x3F8  }
.Ltmp2:
0x68: {  	s6 =	sadd.s32 $0x8, s6;
	(pc) =	sbr.rel @p1 .LBB2_6-.Ltmp2, $2  }
0x69: {  	_ =	sdelay $0x2  }
0x6a: {  	s10 =	sadd.s32 $0x80, s10;
	s15 =	sadd.s32 s15, s14  }
0x6b: {  	[tilespmem:s0], [sflag:$0xB] =	stream.linear.gather [hbm4b:s15+s3], $0x40, $0x38;
	[tilespmem:$0x18200] =	vst v63  }
0x6c: {  	s17 =	simm.s32 $0xA  }
0x6d: {  	_ =	swait.ge [sflag:s17], $0x2000  }
0x6e: {  	s6 =	simm.s32 $0x4200;
	[sflag:s17] =	ssyncset.done $0x0  }
0x6f: {  	s25 =	simm.s32 $0xD;
	s21 =	rddreg [dreg:$0x9];
	[sflag:s17] =	ssyncadd.s32 $0xFFFFE000  }
0x70: {  	[hbm4b:s21+s3] =	stream.linear.scatter [tilespmem:s6], [sflag:$0xE], $0x4000, $0x38;
	[tilespmem:$0x18200] =	vst v63  }
0x71: {  	_ =	swait.ge [sflag:s25], $0x4000  }
0x72: {  	[sflag:s25] =	ssyncset.done $0x0  }
0x73: {  	s21 =	simm.s32 $0x1;
	s29 =	rddreg [dreg:$0x15];
	[sflag:s25] =	ssyncadd.s32 $0xFFFFC000  }
0x74: {  	[tilespmem:s20], [sflag:$0x2] =	stream.linear.gather [hbm4b:s29+s3], $0x80, $0x38;
	[tilespmem:$0x18200] =	vst v63  }
.LBB2_8:
0x75: {  	s0 =	simm.s32 $0x1  }
0x76: {  	_ =	swait.ge [sflag:s0], $0x80  }
0x77: {  	[sflag:s0] =	ssyncset.done $0x0  }
0x78: {  	s29 =	simm.s32 $0x0;
	[sflag:s0] =	ssyncadd.s32 $0xFFFFFF80  }
0x79: {  	[tilespmem:s31], [sflag:$0x5] =	stream.indirect.gather [spmem:s2], $0x80, s29, s20, $0xb8;
	[tilespmem:$0x18200] =	vst v63  }
0x7a: {  	s25 =	sshll.u32 s21, $0x2;
	s31 =	rddreg [dreg:$0x16]  }
0x7b: {  	s0 =	sadd.s32 s25, s31  }
0x7c: {  	s0 =	sshll.u32 s0, $0xA  }
0x7d: {  	s6 =	simm.s32 $0xC200;
	_ =	swait.ge [sflag:s23], $0x4000;
	s0 =	sand.u32 $0x1FFFFC00, s0  }
0x7e: {  	s10 =	simm.s32 $0x8;
	[sflag:s23] =	ssyncset.done $0x0;
	s0 =	sadd.s32 s5, s0  }
0x7f: {  	s15 =	simm.s32 $0xC280;
	[sflag:s23] =	ssyncadd.s32 $0xFFFFC000;
	s17 =	sadd.s32 $0x0, s0  }
.LBB2_9:
0x80: {  	[tilespmem:s6], [sflag:$0xC] =	stream.linear.gather [hbm4b:s17+s3], $0x40, $0x38;
	[tilespmem:$0x18200] =	vst v63  }
0x81: {  	s17 =	smov.u32 s10;
	s6 =	smov.u32 s15;
	p1 =	sne.s32 s10, $0x3F8  }
.Ltmp3:
0x82: {  	s10 =	sadd.s32 $0x8, s10;
	(pc) =	sbr.rel @p1 .LBB2_9-.Ltmp3, $2  }
0x83: {  	_ =	sdelay $0x2  }
0x84: {  	s15 =	sadd.s32 $0x80, s15;
	s17 =	sadd.s32 s17, s0  }
0x85: {  	[tilespmem:s6], [sflag:$0xC] =	stream.linear.gather [hbm4b:s17+s3], $0x40, $0x38;
	[tilespmem:$0x18200] =	vst v63  }
0x86: {  	s0 =	rddreg [dreg:$0x17]  }
0x87: {  	s15 =	simm.s32 $0x0;
	s0 =	sadd.s32 s25, s0  }
0x88: {  	s10 =	simm.s32 $0x8200;
	_ =	swait.ge [sflag:s28], $0x2000;
	s0 =	sshll.u32 s0, $0xB  }
0x89: {  	s31 =	sadd.s32 s7, s25;
	[sflag:s28] =	ssyncset.done $0x0;
	s0 =	sand.u32 $0x1FFFF000, s0  }
0x8a: {  	s29 =	sadd.s32 $0x2, s31;
	[sflag:s28] =	ssyncadd.s32 $0xFFFFE000;
	s0 =	sadd.s32 s1, s0  }
0x8b: {  	[hbm4b:s0+s15] =	stream.linear.scatter [tilespmem:s10], [sflag:$0xF], $0x4000, $0x38;
	[tilespmem:$0x18200] =	vst v63  }
0x8c: {  	s17 =	sshll.u32 s29, $0x4;
	_ =	swait.ge [sflag:s30], $0x4000  }
0x8d: {  	s0 =	sand.u32 $0x1FFFFFE0, s17;
	[sflag:s30] =	ssyncset.done $0x0  }
0x8e: {  	s6 =	simm.s32 $0x2;
	s0 =	sadd.s32 s4, s0;
	[sflag:s30] =	ssyncadd.s32 $0xFFFFC000  }
0x8f: {  	[tilespmem:s18], [sflag:$0x3] =	stream.linear.gather [hbm4b:s0+s15], $0x80, $0x38;
	[tilespmem:$0x18200] =	vst v63  }
0x90: {  	_ =	swait.ge [sflag:s6], $0x80  }
0x91: {  	s10 =	simm.s32 $0x4200;
	s17 =	sshll.u32 s31, $0xA;
	[sflag:s6] =	ssyncset.done $0x0  }
0x92: {  	s15 =	simm.s32 $0x5;
	s0 =	sand.u32 $0x1FFFF000, s17;
	[sflag:s6] =	ssyncadd.s32 $0xFFFFFF80  }
0x93: {  	[tilespmem:s10], [sflag:$0x6] =	stream.indirect.gather [spmem:s2], $0x80, s20, s20, $0xb8;
	[tilespmem:$0x18200] =	vst v63  }
0x94: {  	s0 =	sadd.s32 s5, s0;
	_ =	swait.ge [sflag:s15], $0x4000  }
0x95: {  	s17 =	sadd.s32 $0x0, s0;
	s6 =	simm.s32 $0x200;
	[sflag:s15] =	ssyncset.done $0x0  }
0x96: {  	s10 =	simm.s32 $0x8;
	[sflag:s15] =	ssyncadd.s32 $0xFFFFC000;
	s15 =	simm.s32 $0x280  }
.LBB2_11:
0x97: {  	[tilespmem:s6], [sflag:$0x9] =	stream.linear.gather [hbm4b:s17+s3], $0x40, $0x38;
	[tilespmem:$0x18200] =	vst v63  }
0x98: {  	s17 =	smov.u32 s10;
	s6 =	smov.u32 s15;
	p1 =	sne.s32 s10, $0x3F8  }
.Ltmp4:
0x99: {  	s10 =	sadd.s32 $0x8, s10;
	(pc) =	sbr.rel @p1 .LBB2_11-.Ltmp4, $2  }
0x9a: {  	_ =	sdelay $0x2  }
0x9b: {  	s15 =	sadd.s32 $0x80, s15;
	s17 =	sadd.s32 s17, s0  }
0x9c: {  	[tilespmem:s6], [sflag:$0x9] =	stream.linear.gather [hbm4b:s17+s3], $0x40, $0x38;
	[tilespmem:$0x18200] =	vst v63  }
0x9d: {  	s0 =	rddreg [dreg:$0x18]  }
0x9e: {  	s0 =	sadd.s32 s25, s0  }
0x9f: {  	s6 =	simm.s32 $0x0;
	_ =	swait.ge [sflag:s8], $0x2000;
	s0 =	sshll.u32 s0, $0xB  }
0xa0: {  	s10 =	simm.s32 $0xC200;
	[sflag:s8] =	ssyncset.done $0x0;
	s0 =	sand.u32 $0x1FFFF800, s0  }
0xa1: {  	s15 =	rddreg [dreg:$0x19];
	[sflag:s8] =	ssyncadd.s32 $0xFFFFE000;
	s0 =	sadd.s32 s1, s0  }
0xa2: {  	[hbm4b:s0+s6] =	stream.linear.scatter [tilespmem:s10], [sflag:$0x10], $0x4000, $0x38;
	[tilespmem:$0x18200] =	vst v63  }
0xa3: {  	s0 =	sadd.s32 s25, s15  }
0xa4: {  	_ =	swait.ge [sflag:s9], $0x4000;
	s0 =	sshll.u32 s0, $0x4  }
0xa5: {  	[sflag:s9] =	ssyncset.done $0x0;
	s0 =	sand.u32 $0x1FFFFFF0, s0  }
0xa6: {  	s17 =	simm.s32 $0x180;
	[sflag:s9] =	ssyncadd.s32 $0xFFFFC000;
	s0 =	sadd.s32 s4, s0  }
0xa7: {  	[tilespmem:s17], [sflag:$0x4] =	stream.linear.gather [hbm4b:s0+s6], $0x80, $0x38;
	[tilespmem:$0x18200] =	vst v63  }
0xa8: {  	s6 =	simm.s32 $0x3  }
0xa9: {  	_ =	swait.ge [sflag:s6], $0x80  }
0xaa: {  	s15 =	sadd.s32 s25, s7;
	[sflag:s6] =	ssyncset.done $0x0  }
0xab: {  	s10 =	simm.s32 $0x8200;
	s0 =	sadd.s32 $0x1, s15;
	[sflag:s6] =	ssyncadd.s32 $0xFFFFFF80  }
0xac: {  	[tilespmem:s10], [sflag:$0x7] =	stream.indirect.gather [spmem:s2], $0x80, s18, s20, $0xb8;
	[tilespmem:$0x18200] =	vst v63  }
0xad: {  	s17 =	simm.s32 $0x6;
	s18 =	sshll.u32 s0, $0xA  }
0xae: {  	s15 =	simm.s32 $0x8;
	_ =	swait.ge [sflag:s17], $0x4000;
	s6 =	sand.u32 $0x1FFFF400, s18  }
0xaf: {  	s10 =	simm.s32 $0x4200;
	[sflag:s17] =	ssyncset.done $0x0;
	s6 =	sadd.s32 s5, s6  }
0xb0: {  	[sflag:s17] =	ssyncadd.s32 $0xFFFFC000;
	s18 =	sadd.s32 $0x0, s6;
	s17 =	simm.s32 $0x4280  }
.LBB2_13:
0xb1: {  	[tilespmem:s10], [sflag:$0xA] =	stream.linear.gather [hbm4b:s18+s3], $0x40, $0x38;
	[tilespmem:$0x18200] =	vst v63  }
0xb2: {  	s18 =	smov.u32 s15;
	s10 =	smov.u32 s17;
	p1 =	sne.s32 s15, $0x3F8  }
.Ltmp5:
0xb3: {  	s15 =	sadd.s32 $0x8, s15;
	(pc) =	sbr.rel @p1 .LBB2_13-.Ltmp5, $2  }
0xb4: {  	_ =	sdelay $0x2  }
0xb5: {  	s17 =	sadd.s32 $0x80, s17;
	s18 =	sadd.s32 s18, s6  }
0xb6: {  	[tilespmem:s10], [sflag:$0xA] =	stream.linear.gather [hbm4b:s18+s3], $0x40, $0x38;
	[tilespmem:$0x18200] =	vst v63  }
0xb7: {  	s15 =	simm.s32 $0x9  }
0xb8: {  	s6 =	sshll.u32 s31, $0xB;
	s17 =	simm.s32 $0x0;
	_ =	swait.ge [sflag:s15], $0x2000  }
0xb9: {  	s31 =	simm.s32 $0x200;
	s6 =	sand.u32 $0x1FFFE000, s6;
	[sflag:s15] =	ssyncset.done $0x0  }
0xba: {  	s6 =	sadd.s32 s1, s6;
	s18 =	rddreg [dreg:$0x1a];
	[sflag:s15] =	ssyncadd.s32 $0xFFFFE000  }
0xbb: {  	[hbm4b:s6+s17] =	stream.linear.scatter [tilespmem:s31], [sflag:$0xD], $0x4000, $0x38;
	[tilespmem:$0x18200] =	vst v63  }
0xbc: {  	s6 =	sadd.s32 s25, s18  }
0xbd: {  	_ =	swait.ge [sflag:s13], $0x4000;
	s6 =	sshll.u32 s6, $0x4  }
0xbe: {  	[sflag:s13] =	ssyncset.done $0x0;
	s6 =	sand.u32 $0x1FFFFFC0, s6  }
0xbf: {  	s10 =	simm.s32 $0x4;
	[sflag:s13] =	ssyncadd.s32 $0xFFFFC000;
	s6 =	sadd.s32 s4, s6  }
0xc0: {  	[tilespmem:s17], [sflag:$0x1] =	stream.linear.gather [hbm4b:s6+s17], $0x80, $0x38;
	[tilespmem:$0x18200] =	vst v63  }
0xc1: {  	s29 =	sshll.u32 s29, $0xA;
	_ =	swait.ge [sflag:s10], $0x80  }
0xc2: {  	s15 =	simm.s32 $0x180;
	s18 =	simm.s32 $0x7;
	[sflag:s10] =	ssyncset.done $0x0  }
0xc3: {  	s17 =	simm.s32 $0xC200;
	s6 =	sand.u32 $0x1FFFF800, s29;
	[sflag:s10] =	ssyncadd.s32 $0xFFFFFF80  }
0xc4: {  	[tilespmem:s17], [sflag:$0x8] =	stream.indirect.gather [spmem:s2], $0x80, s15, s20, $0xb8;
	[tilespmem:$0x18200] =	vst v63  }
0xc5: {  	s6 =	sadd.s32 s5, s6;
	_ =	swait.ge [sflag:s18], $0x4000  }
0xc6: {  	s10 =	simm.s32 $0x8200;
	s15 =	simm.s32 $0x8;
	[sflag:s18] =	ssyncset.done $0x0  }
0xc7: {  	s17 =	simm.s32 $0x8280;
	[sflag:s18] =	ssyncadd.s32 $0xFFFFC000;
	s18 =	sadd.s32 $0x0, s6  }
.LBB2_15:
0xc8: {  	[tilespmem:s10], [sflag:$0xB] =	stream.linear.gather [hbm4b:s18+s3], $0x40, $0x38;
	[tilespmem:$0x18200] =	vst v63  }
0xc9: {  	s18 =	smov.u32 s15;
	s10 =	smov.u32 s17;
	p1 =	sne.s32 s15, $0x3F8  }
.Ltmp6:
0xca: {  	s15 =	sadd.s32 $0x8, s15;
	(pc) =	sbr.rel @p1 .LBB2_15-.Ltmp6, $2  }
0xcb: {  	_ =	sdelay $0x2  }
0xcc: {  	s17 =	sadd.s32 $0x80, s17;
	s18 =	sadd.s32 s18, s6  }
0xcd: {  	[tilespmem:s10], [sflag:$0xB] =	stream.linear.gather [hbm4b:s18+s3], $0x40, $0x38;
	[tilespmem:$0x18200] =	vst v63  }
0xce: {  	s6 =	simm.s32 $0xA;
	s0 =	sshll.u32 s0, $0xB  }
0xcf: {  	s17 =	simm.s32 $0x4200;
	s21 =	sadd.s32 $0x1, s21;
	_ =	swait.ge [sflag:s6], $0x2000  }
0xd0: {  	s0 =	sand.u32 $0x1FFFE800, s0;
	p1 =	sne.s32 s21, $0x31;
	[sflag:s6] =	ssyncset.done $0x0  }
0xd1: {  	s0 =	sadd.s32 s1, s0;
	s18 =	rddreg [dreg:$0x1b];
	[sflag:s6] =	ssyncadd.s32 $0xFFFFE000  }
0xd2: {  	[hbm4b:s0+s3] =	stream.linear.scatter [tilespmem:s17], [sflag:$0xE], $0x4000, $0x38;
	[tilespmem:$0x18200] =	vst v63  }
.Ltmp7:
0xd3: {  	s29 =	simm.s32 $0xD;
	s0 =	sadd.s32 s25, s18;
	(pc) =	sbr.rel @p1 .LBB2_8-.Ltmp7, $4  }
0xd4: {  	_ =	swait.ge [sflag:s29], $0x4000;
	s0 =	sshll.u32 s0, $0x4  }
0xd5: {  	[sflag:s29] =	ssyncset.done $0x0;
	s0 =	sand.u32 $0x1FFFFFD0, s0  }
0xd6: {  	s18 =	simm.s32 $0x100;
	[sflag:s29] =	ssyncadd.s32 $0xFFFFC000;
	s0 =	sadd.s32 s4, s0  }
0xd7: {  	[tilespmem:s20], [sflag:$0x2] =	stream.linear.gather [hbm4b:s0+s3], $0x80, $0x38;
	[tilespmem:$0x18200] =	vst v63  }
0xd8: {  	s0 =	simm.s32 $0x1  }
0xd9: {  	_ =	swait.ge [sflag:s0], $0x80  }
0xda: {  	[sflag:s0] =	ssyncset.done $0x0  }
0xdb: {  	s29 =	simm.s32 $0x0;
	[sflag:s0] =	ssyncadd.s32 $0xFFFFFF80  }
0xdc: {  	[tilespmem:s31], [sflag:$0x5] =	stream.indirect.gather [spmem:s2], $0x80, s29, s20, $0xb8;
	[tilespmem:$0x18200] =	vst v63  }
0xdd: {  	_ =	swait.ge [sflag:s23], $0x4000  }
0xde: {  	s6 =	simm.s32 $0x8;
	s15 =	sadd.s32 $0x0, s16;
	[sflag:s23] =	ssyncset.done $0x0  }
0xdf: {  	s10 =	simm.s32 $0xC280;
	s0 =	simm.s32 $0xC200;
	[sflag:s23] =	ssyncadd.s32 $0xFFFFC000  }
.LBB2_18:
0xe0: {  	[tilespmem:s0], [sflag:$0xC] =	stream.linear.gather [hbm4b:s15+s3], $0x40, $0x38;
	[tilespmem:$0x18200] =	vst v63  }
0xe1: {  	s15 =	smov.u32 s6;
	s0 =	smov.u32 s10;
	p1 =	sne.s32 s6, $0x3F8  }
.Ltmp8:
0xe2: {  	s6 =	sadd.s32 $0x8, s6;
	(pc) =	sbr.rel @p1 .LBB2_18-.Ltmp8, $2  }
0xe3: {  	_ =	sdelay $0x2  }
0xe4: {  	s10 =	sadd.s32 $0x80, s10;
	s15 =	sadd.s32 s15, s16  }
0xe5: {  	[tilespmem:s0], [sflag:$0xC] =	stream.linear.gather [hbm4b:s15+s3], $0x40, $0x38;
	[tilespmem:$0x18200] =	vst v63  }
0xe6: {  	_ =	swait.ge [sflag:s28], $0x2000  }
0xe7: {  	s15 =	simm.s32 $0x0;
	[sflag:s28] =	ssyncset.done $0x0  }
0xe8: {  	s10 =	simm.s32 $0x8200;
	s6 =	rddreg [dreg:$0xa];
	[sflag:s28] =	ssyncadd.s32 $0xFFFFE000  }
0xe9: {  	[hbm4b:s6+s15] =	stream.linear.scatter [tilespmem:s10], [sflag:$0xF], $0x4000, $0x38;
	[tilespmem:$0x18200] =	vst v63  }
0xea: {  	_ =	swait.ge [sflag:s30], $0x4000  }
0xeb: {  	[sflag:s30] =	ssyncset.done $0x0  }
0xec: {  	s21 =	simm.s32 $0x2;
	s17 =	rddreg [dreg:$0xb];
	[sflag:s30] =	ssyncadd.s32 $0xFFFFC000  }
0xed: {  	[tilespmem:s18], [sflag:$0x3] =	stream.linear.gather [hbm4b:s17+s15], $0x80, $0x38;
	[tilespmem:$0x18200] =	vst v63  }
0xee: {  	_ =	swait.ge [sflag:s21], $0x80  }
0xef: {  	[sflag:s21] =	ssyncset.done $0x0  }
0xf0: {  	s25 =	simm.s32 $0x4200;
	s29 =	simm.s32 $0x5;
	[sflag:s21] =	ssyncadd.s32 $0xFFFFFF80  }
0xf1: {  	[tilespmem:s25], [sflag:$0x6] =	stream.indirect.gather [spmem:s2], $0x80, s20, s20, $0xb8;
	[tilespmem:$0x18200] =	vst v63  }
0xf2: {  	_ =	swait.ge [sflag:s29], $0x4000  }
0xf3: {  	s0 =	simm.s32 $0x200;
	s6 =	simm.s32 $0x8;
	[sflag:s29] =	ssyncset.done $0x0  }
0xf4: {  	s10 =	simm.s32 $0x280;
	s15 =	sadd.s32 $0x0, s19;
	[sflag:s29] =	ssyncadd.s32 $0xFFFFC000  }
.LBB2_20:
0xf5: {  	[tilespmem:s0], [sflag:$0x9] =	stream.linear.gather [hbm4b:s15+s3], $0x40, $0x38;
	[tilespmem:$0x18200] =	vst v63  }
0xf6: {  	s15 =	smov.u32 s6;
	s0 =	smov.u32 s10;
	p1 =	sne.s32 s6, $0x3F8  }
.Ltmp9:
0xf7: {  	s6 =	sadd.s32 $0x8, s6;
	(pc) =	sbr.rel @p1 .LBB2_20-.Ltmp9, $2  }
0xf8: {  	_ =	sdelay $0x2  }
0xf9: {  	s10 =	sadd.s32 $0x80, s10;
	s15 =	sadd.s32 s15, s19  }
0xfa: {  	[tilespmem:s0], [sflag:$0x9] =	stream.linear.gather [hbm4b:s15+s3], $0x40, $0x38;
	[tilespmem:$0x18200] =	vst v63  }
0xfb: {  	_ =	swait.ge [sflag:s8], $0x2000  }
0xfc: {  	s29 =	simm.s32 $0x0;
	[sflag:s8] =	ssyncset.done $0x0  }
0xfd: {  	s10 =	simm.s32 $0xC200;
	s6 =	rddreg [dreg:$0xc];
	[sflag:s8] =	ssyncadd.s32 $0xFFFFE000  }
0xfe: {  	[hbm4b:s6+s29] =	stream.linear.scatter [tilespmem:s10], [sflag:$0x10], $0x4000, $0x38;
	[tilespmem:$0x18200] =	vst v63  }
0xff: {  	_ =	swait.ge [sflag:s9], $0x4000  }
0x100: {  	s17 =	simm.s32 $0x180;
	[sflag:s9] =	ssyncset.done $0x0  }
0x101: {  	s21 =	simm.s32 $0x3;
	s15 =	rddreg [dreg:$0xd];
	[sflag:s9] =	ssyncadd.s32 $0xFFFFC000  }
0x102: {  	[tilespmem:s17], [sflag:$0x4] =	stream.linear.gather [hbm4b:s15+s29], $0x80, $0x38;
	[tilespmem:$0x18200] =	vst v63  }
0x103: {  	_ =	swait.ge [sflag:s21], $0x80  }
0x104: {  	[sflag:s21] =	ssyncset.done $0x0  }
0x105: {  	s25 =	simm.s32 $0x8200;
	s29 =	simm.s32 $0x6;
	[sflag:s21] =	ssyncadd.s32 $0xFFFFFF80  }
0x106: {  	[tilespmem:s25], [sflag:$0x7] =	stream.indirect.gather [spmem:s2], $0x80, s18, s20, $0xb8;
	[tilespmem:$0x18200] =	vst v63  }
0x107: {  	_ =	swait.ge [sflag:s29], $0x4000  }
0x108: {  	s0 =	simm.s32 $0x4200;
	s6 =	simm.s32 $0x8;
	[sflag:s29] =	ssyncset.done $0x0  }
0x109: {  	s10 =	simm.s32 $0x4280;
	s15 =	sadd.s32 $0x0, s22;
	[sflag:s29] =	ssyncadd.s32 $0xFFFFC000  }
.LBB2_22:
0x10a: {  	[tilespmem:s0], [sflag:$0xA] =	stream.linear.gather [hbm4b:s15+s3], $0x40, $0x38;
	[tilespmem:$0x18200] =	vst v63  }
0x10b: {  	s15 =	smov.u32 s6;
	s0 =	smov.u32 s10;
	p1 =	sne.s32 s6, $0x3F8  }
.Ltmp10:
0x10c: {  	s6 =	sadd.s32 $0x8, s6;
	(pc) =	sbr.rel @p1 .LBB2_22-.Ltmp10, $2  }
0x10d: {  	_ =	sdelay $0x2  }
0x10e: {  	s10 =	sadd.s32 $0x80, s10;
	s15 =	sadd.s32 s15, s22  }
0x10f: {  	[tilespmem:s0], [sflag:$0xA] =	stream.linear.gather [hbm4b:s15+s3], $0x40, $0x38;
	[tilespmem:$0x18200] =	vst v63  }
0x110: {  	s10 =	simm.s32 $0x9  }
0x111: {  	_ =	swait.ge [sflag:s10], $0x2000  }
0x112: {  	[sflag:s10] =	ssyncset.done $0x0  }
0x113: {  	s15 =	simm.s32 $0x0;
	s6 =	rddreg [dreg:$0xe];
	[sflag:s10] =	ssyncadd.s32 $0xFFFFE000  }
0x114: {  	[hbm4b:s6+s15] =	stream.linear.scatter [tilespmem:s31], [sflag:$0xD], $0x4000, $0x38;
	[tilespmem:$0x18200] =	vst v63  }
0x115: {  	_ =	swait.ge [sflag:s13], $0x4000  }
0x116: {  	[sflag:s13] =	ssyncset.done $0x0  }
0x117: {  	s17 =	simm.s32 $0x4;
	[sflag:s13] =	ssyncadd.s32 $0xFFFFC000  }
0x118: {  	_ =	swait.ge [sflag:s17], $0x80  }
0x119: {  	s21 =	simm.s32 $0x180;
	[sflag:s17] =	ssyncset.done $0x0  }
0x11a: {  	s25 =	simm.s32 $0xC200;
	s29 =	simm.s32 $0x7;
	[sflag:s17] =	ssyncadd.s32 $0xFFFFFF80  }
0x11b: {  	[tilespmem:s25], [sflag:$0x8] =	stream.indirect.gather [spmem:s2], $0x80, s21, s20, $0xb8;
	[tilespmem:$0x18200] =	vst v63  }
0x11c: {  	_ =	swait.ge [sflag:s29], $0x4000  }
0x11d: {  	s0 =	simm.s32 $0x8200;
	s10 =	simm.s32 $0x8280;
	[sflag:s29] =	ssyncset.done $0x0  }
0x11e: {  	s6 =	simm.s32 $0x8;
	s15 =	sadd.s32 $0x0, s24;
	[sflag:s29] =	ssyncadd.s32 $0xFFFFC000  }
.LBB2_24:
0x11f: {  	[tilespmem:s0], [sflag:$0xB] =	stream.linear.gather [hbm4b:s15+s3], $0x40, $0x38;
	[tilespmem:$0x18200] =	vst v63  }
0x120: {  	s15 =	smov.u32 s6;
	s0 =	smov.u32 s10;
	p1 =	sne.s32 s6, $0x3F8  }
.Ltmp11:
0x121: {  	s6 =	sadd.s32 $0x8, s6;
	(pc) =	sbr.rel @p1 .LBB2_24-.Ltmp11, $2  }
0x122: {  	_ =	sdelay $0x2  }
0x123: {  	s10 =	sadd.s32 $0x80, s10;
	s15 =	sadd.s32 s15, s24  }
0x124: {  	[tilespmem:s0], [sflag:$0xB] =	stream.linear.gather [hbm4b:s15+s3], $0x40, $0x38;
	[tilespmem:$0x18200] =	vst v63  }
0x125: {  	s21 =	simm.s32 $0xA  }
0x126: {  	_ =	swait.ge [sflag:s21], $0x2000  }
0x127: {  	s25 =	simm.s32 $0x0;
	s10 =	simm.s32 $0x4200;
	[sflag:s21] =	ssyncset.done $0x0  }
0x128: {  	s29 =	simm.s32 $0xD;
	s6 =	rddreg [dreg:$0xf];
	[sflag:s21] =	ssyncadd.s32 $0xFFFFE000  }
0x129: {  	[hbm4b:s6+s25] =	stream.linear.scatter [tilespmem:s10], [sflag:$0xE], $0x4000, $0x38;
	[tilespmem:$0x18200] =	vst v63  }
0x12a: {  	_ =	swait.ge [sflag:s29], $0x4000  }
0x12b: {  	[sflag:s29] =	ssyncset.done $0x0  }
0x12c: {  	[sflag:s29] =	ssyncadd.s32 $0xFFFFC000  }
0x12d: {  	_ =	swait.ge [sflag:s23], $0x4000  }
0x12e: {  	s0 =	simm.s32 $0xC200;
	s15 =	sadd.s32 $0x0, s26;
	[sflag:s23] =	ssyncset.done $0x0  }
0x12f: {  	s6 =	simm.s32 $0x8;
	s10 =	simm.s32 $0xC280;
	[sflag:s23] =	ssyncadd.s32 $0xFFFFC000  }
.LBB2_26:
0x130: {  	[tilespmem:s0], [sflag:$0xC] =	stream.linear.gather [hbm4b:s15+s3], $0x40, $0x38;
	[tilespmem:$0x18200] =	vst v63  }
0x131: {  	s15 =	smov.u32 s6;
	s0 =	smov.u32 s10;
	p1 =	sne.s32 s6, $0x3F8  }
.Ltmp12:
0x132: {  	s6 =	sadd.s32 $0x8, s6;
	(pc) =	sbr.rel @p1 .LBB2_26-.Ltmp12, $2  }
0x133: {  	_ =	sdelay $0x2  }
0x134: {  	s10 =	sadd.s32 $0x80, s10;
	s15 =	sadd.s32 s15, s26  }
0x135: {  	[tilespmem:s0], [sflag:$0xC] =	stream.linear.gather [hbm4b:s15+s3], $0x40, $0x38;
	[tilespmem:$0x18200] =	vst v63  }
0x136: {  	_ =	swait.ge [sflag:s28], $0x2000  }
0x137: {  	[sflag:s28] =	ssyncset.done $0x0  }
0x138: {  	s6 =	simm.s32 $0x8200;
	s15 =	rddreg [dreg:$0x10];
	[sflag:s28] =	ssyncadd.s32 $0xFFFFE000  }
0x139: {  	[hbm4b:s15+s3] =	stream.linear.scatter [tilespmem:s6], [sflag:$0xF], $0x4000, $0x38;
	[tilespmem:$0x18200] =	vst v63  }
0x13a: {  	_ =	swait.ge [sflag:s8], $0x2000  }
0x13b: {  	[sflag:s8] =	ssyncset.done $0x0  }
0x13c: {  	s21 =	simm.s32 $0xC200;
	s17 =	rddreg [dreg:$0x11];
	[sflag:s8] =	ssyncadd.s32 $0xFFFFE000  }
0x13d: {  	[hbm4b:s17+s3] =	stream.linear.scatter [tilespmem:s21], [sflag:$0x10], $0x4000, $0x38;
	[tilespmem:$0x18200] =	vst v63  }
0x13e: {  	_ =	swait.ge [sflag:s30], $0x4000  }
0x13f: {  	[sflag:s30] =	ssyncset.done $0x0  }
0x140: {  	[sflag:s30] =	ssyncadd.s32 $0xFFFFC000  }
0x141: {  	_ =	swait.ge [sflag:s9], $0x4000  }
0x142: {  	[sflag:s9] =	ssyncset.done $0x0  }
0x143: {  	[sflag:s9] =	ssyncadd.s32 $0xFFFFC000  }
0x144: {  	_ =	swait.ge [sflag:s13], $0x4000  }
0x145: {  	s25 =	rddreg [dreg:$0x1c]  }
0x146: {  	s29 =	rddreg [dreg:$0x12];
	s6 =	sadd.s32 $0x1, s25  }
0x147: {  	p1 =	sne.s32 s6, s29  }
.Ltmp13:
0x148: {  	_ = 	snop;
	(pc) =	sbr.rel @p1 .LBB2_1-.Ltmp13, $3  }
0x149: {  	_ =	sdelay $0x1  }
0x14a: {  	[sflag:s13] =	ssyncset.done $0x0  }
0x14b: {  	[sflag:s13] =	ssyncadd.s32 $0xFFFFC000  }
0x14c: {  	_ =	sfence.sel $0x180000  }
0x14d: {  	[bflag:$0x0] =	sbarrier.arrive $0xFFFF  }
0x14e: {  	_ =	strace $0x90000047  }
0x14f: {  	[bflag:$0x2] =	sbarrier.arrive $0xFFFF  }
0x150: {  	s0 =	rddreg [dreg:$0x3]  }
0x151: {  	s0 =	sadd.s32 @!p0 $0x100000, s0  }
0x152: {  	[sflag:s0] =	ssyncadd.tile.s32 @!p0 $0x1;
	_ =	shalt  }
.Lfunc_end2:
_tile_overlayer_lowered:
.L_overlay_start_2:
0x153: {  	(tag) =	ssettag $0x2  }
0x154: {  	s0 =	rddreg [dreg:$0x0];
	s2 =	stileid.u32  }
0x155: {  	s1 =	rddreg [dreg:$0x1];
	p0 =	sne.s32 s2, $0x0  }
0x156: {  	s3 =	rddreg [dreg:$0x2];
	[bflag:$0x3] =	sbarrier.arrive $0xFFFF;
	s2 =	simm.s32 @!p0 $0x1C11  }
0x157: {  	[timem:s3], [sflag:s2] =	dma.local @!p0 [hbm:s0], s1  }
0x158: {  	s0 =	simm.s32 @!p0 $0x11  }
0x159: {  	_ =	swait.ge @!p0 [sflag:s0], s1  }
0x15a: {  	s1 =	ssub.s32 @!p0 $0x0, s1;
	[sflag:s0] =	ssyncset.done @!p0 $0x0  }
0x15b: {  	[sflag:s0] =	ssyncadd.s32 @!p0 s1  }
0x15c: {  	[bflag:$0x3] =	sbarrier.arrive $0xFFFF  }
0x15d: {  	_ =	shalt  }

</sc_bundles>
